<compile_context>
chip_gen: v7x
topology: tpu7x:2x2x1
jax: 0.10.2.dev20260603
libtpu: 0.0.44.dev20260713+nightly
codegen_flags: <defaults>
</compile_context>

<pallas_src>
import jax
import jax.numpy as jnp
from jax import lax
from jax.experimental import pallas as pl
from jax.experimental.pallas import tpu as pltpu
from jax.experimental.pallas import tpu_sc as plsc

N = 10000
E = 320000
D = 128
H = 8
HD = 16

NC = 2
NS = 16
NW = NC * NS
EPW = E // NW
C = 80
NCHUNK = EPW // C
NPAD = 10240
NPW = NPAD // NS


def _proj_body(x_ref, ws_ref, wr_ref, bs_ref, br_ref, xs_ref, xr_ref):
    x = x_ref[...]
    xs_ref[...] = (
        jnp.dot(x, ws_ref[...], preferred_element_type=jnp.float32) + bs_ref[...]
    )
    xr_ref[...] = (
        jnp.dot(x, wr_ref[...], preferred_element_type=jnp.float32) + br_ref[...]
    )


def _project(x, wsf, wrf, bsf, brf):
    blk = 1000
    grid = (N // blk,)
    return pl.pallas_call(
        _proj_body,
        grid=grid,
        in_specs=[
            pl.BlockSpec((blk, D), lambda i: (i, 0)),
            pl.BlockSpec((D, D), lambda i: (0, 0)),
            pl.BlockSpec((D, D), lambda i: (0, 0)),
            pl.BlockSpec((1, D), lambda i: (0, 0)),
            pl.BlockSpec((1, D), lambda i: (0, 0)),
        ],
        out_specs=[
            pl.BlockSpec((blk, D), lambda i: (i, 0)),
            pl.BlockSpec((blk, D), lambda i: (i, 0)),
        ],
        out_shape=[
            jax.ShapeDtypeStruct((N, D), jnp.float32),
            jax.ShapeDtypeStruct((N, D), jnp.float32),
        ],
    )(x, wsf, wrf, bsf, brf)


def _edge_body(
    xs_hbm, xr_hbm, snd_hbm, rcv_hbm, coef_hbm, zn_hbm, zd_hbm,
    num_out, den_out,
    snd_v, rcv_v, buf_s, buf_r, ex_v, coef_v, num_sh, den_sh,
    sem_i1, sem_i2, sem_g1, sem_g2, sem_s1, sem_s2,
):
    cid = lax.axis_index("c")
    sid = lax.axis_index("s")
    wid = sid * NC + cid

    pltpu.sync_copy(zn_hbm, num_sh.at[pl.ds(sid * NPW, NPW)])
    pltpu.sync_copy(zd_hbm, den_sh.at[pl.ds(sid * NPW, NPW)])
    pltpu.sync_copy(coef_hbm, coef_v)
    plsc.subcore_barrier()

    aw = coef_v[0, :]
    ab = coef_v[1, :]
    lanes = lax.iota(jnp.int32, 16)
    perms = [lanes ^ d for d in (8, 4, 2, 1)]

    gdn = lax.GatherDimensionNumbers(
        offset_dims=(), collapsed_slice_dims=(0,), start_index_map=(0,)
    )

    def _shuffle(v, idx):
        return lax.gather(
            v, idx[:, None], dimension_numbers=gdn, slice_sizes=(1,),
            mode=lax.GatherScatterMode.PROMISE_IN_BOUNDS,
        )

    def _lane_allsum(v):
        for idx in perms:
            v = v + _shuffle(v, idx)
        return v

    def chunk_body(g, carry):
        di1 = pltpu.async_copy(snd_hbm.at[wid, g], snd_v, sem_i1)
        di2 = pltpu.async_copy(rcv_hbm.at[wid, g], rcv_v, sem_i2)
        di1.wait()
        dg1 = pltpu.async_copy(xs_hbm.at[snd_v], buf_s, sem_g1)
        di2.wait()
        dg2 = pltpu.async_copy(xr_hbm.at[rcv_v], buf_r, sem_g2)
        dg1.wait()
        dg2.wait()

        def edge_body(e, carry2):
            exrow = jnp.zeros((16,), jnp.float32)
            for h in range(H):
                sv = buf_s[e, pl.ds(h * HD, 16)]
                rv = buf_r[e, pl.ds(h * HD, 16)]
                z = sv + rv
                u = jnp.exp(jnp.minimum(z, 20.0))
                a = u * (u + 2.0)
                t = z * (a / (a + 2.0))
                logit = _lane_allsum(t * aw) + ab
                exb = jnp.exp(logit)
                buf_s[e, pl.ds(h * HD, 16)] = exb * sv
                exrow = jnp.where(lanes == h, exb, exrow)
            ex_v[e, :] = exrow
            return carry2

        lax.fori_loop(0, C, edge_body, 0, unroll=False)

        dsc1 = pltpu.async_copy(buf_s, num_sh.at[rcv_v], sem_s1, add=True)
        dsc2 = pltpu.async_copy(ex_v, den_sh.at[rcv_v], sem_s2, add=True)
        dsc1.wait()
        dsc2.wait()
        return carry

    lax.fori_loop(0, NCHUNK, chunk_body, 0, unroll=False)
    plsc.subcore_barrier()

    pltpu.sync_copy(
        num_sh.at[pl.ds(sid * NPW, NPW)], num_out.at[cid, pl.ds(sid * NPW, NPW)]
    )
    pltpu.sync_copy(
        den_sh.at[pl.ds(sid * NPW, NPW)], den_out.at[cid, pl.ds(sid * NPW, NPW)]
    )


def _edge_pass(xs, xr, snd, rcv, coef, zn, zd):
    mesh = plsc.VectorSubcoreMesh(
        core_axis_name="c", subcore_axis_name="s", num_cores=NC, num_subcores=NS
    )
    return pl.kernel(
        _edge_body,
        out_type=[
            jax.ShapeDtypeStruct((NC, NPAD, D), jnp.float32),
            jax.ShapeDtypeStruct((NC, NPAD, 16), jnp.float32),
        ],
        mesh=mesh,
        scratch_types=[
            pltpu.VMEM((C,), jnp.int32),
            pltpu.VMEM((C,), jnp.int32),
            pltpu.VMEM((C, D), jnp.float32),
            pltpu.VMEM((C, D), jnp.float32),
            pltpu.VMEM((C, 16), jnp.float32),
            pltpu.VMEM((2, 16), jnp.float32),
            pltpu.VMEM_SHARED((NPAD, D), jnp.float32),
            pltpu.VMEM_SHARED((NPAD, 16), jnp.float32),
            pltpu.SemaphoreType.DMA,
            pltpu.SemaphoreType.DMA,
            pltpu.SemaphoreType.DMA,
            pltpu.SemaphoreType.DMA,
            pltpu.SemaphoreType.DMA,
            pltpu.SemaphoreType.DMA,
        ],
        compiler_params=pltpu.CompilerParams(use_tc_tiling_on_sc=False),
    )(xs, xr, snd, rcv, coef, zn, zd)


def _merge_body(num_ref, den_ref, out_ref):
    num = num_ref[0] + num_ref[1]
    den = den_ref[0] + den_ref[1]
    row = lax.broadcasted_iota(jnp.int32, (16, D), 0)
    col = lax.broadcasted_iota(jnp.int32, (16, D), 1)
    expand = (row == col // HD).astype(jnp.float32)
    dexp = jnp.dot(den, expand, preferred_element_type=jnp.float32)
    out_ref[...] = jnp.where(dexp > 0.0, num / dexp, 0.0)


def _merge(num_p, den_p):
    blk = 1000
    grid = (N // blk,)
    return pl.pallas_call(
        _merge_body,
        grid=grid,
        in_specs=[
            pl.BlockSpec((NC, blk, D), lambda i: (0, i, 0)),
            pl.BlockSpec((NC, blk, 16), lambda i: (0, i, 0)),
        ],
        out_specs=pl.BlockSpec((blk, D), lambda i: (i, 0)),
        out_shape=jax.ShapeDtypeStruct((N, D), jnp.float32),
    )(num_p, den_p)


def kernel(x, edge_index, Ws_w, Ws_b, Wr_w, Wr_b, a_w, a_b):
    wsf = Ws_w.reshape(D, H * HD)
    wrf = Wr_w.reshape(D, H * HD)
    bsf = Ws_b.reshape(1, H * HD)
    brf = Wr_b.reshape(1, H * HD)
    xs, xr = _project(x, wsf, wrf, bsf, brf)

    snd = edge_index[0].astype(jnp.int32).reshape(NW, NCHUNK, C)
    rcv = edge_index[1].astype(jnp.int32).reshape(NW, NCHUNK, C)
    coef = jnp.stack([a_w[:, 0], jnp.broadcast_to(a_b, (HD,))]).astype(jnp.float32)
    zn = jnp.zeros((NPW, D), jnp.float32)
    zd = jnp.zeros((NPW, 16), jnp.float32)

    num_p, den_p = _edge_pass(xs, xr, snd, rcv, coef, zn, zd)
    return _merge(num_p, den_p)

# --- scband reference (transcript-rebuilt; emitter-appended) ---
"""Pipeline reference for scband-gatv2-36215164240054 (READ-ONLY COPY).

The authoritative reference and input builder live on the scoring server;
editing this copy changes nothing except your own understanding.
"""

import jax, jax.numpy as jnp
import numpy as np

N = 10000
E = 320000
D = 128
H = 8
HD = 16

def mish(x):
    return x * jnp.tanh(jax.nn.softplus(x))

def setup_inputs(seed: int = 0):
    key = jax.random.key(seed)
    ks = jax.random.split(key, 8)
    x = jax.random.normal(ks[0], (N, D), dtype=jnp.float32)
    edge_index = jax.random.randint(ks[1], (2, E), 0, N)
    s = 1.0 / np.sqrt(D)
    Ws_w = jax.random.normal(ks[2], (D, H, HD), dtype=jnp.float32) * s
    Ws_b = jnp.zeros((H, HD), dtype=jnp.float32)
    Wr_w = jax.random.normal(ks[3], (D, H, HD), dtype=jnp.float32) * s
    Wr_b = jnp.zeros((H, HD), dtype=jnp.float32)
    a_w = jax.random.normal(ks[4], (HD, 1), dtype=jnp.float32) * (1.0 / np.sqrt(HD))
    a_b = jnp.zeros((1,), dtype=jnp.float32)
    return {"x": x, "edge_index": edge_index, "Ws_w": Ws_w, "Ws_b": Ws_b,
            "Wr_w": Wr_w, "Wr_b": Wr_b, "a_w": a_w, "a_b": a_b}

def reference(x, edge_index, Ws_w, Ws_b, Wr_w, Wr_b, a_w, a_b):
    senders = edge_index[0]
    receivers = edge_index[1]
    # edge update: edges = W_s(sent_attributes)  [E, H, HD]
    sent = x[senders]
    recv = x[receivers]
    e_s = jnp.einsum('ed,dhk->ehk', sent, Ws_w) + Ws_b
    e_r = jnp.einsum('ed,dhk->ehk', recv, Wr_w) + Wr_b
    # attention logits: Dense(1)(mish(W_s(sent) + W_r(recv)))  [E, H, 1]
    t = mish(e_s + e_r)
    logits = jnp.einsum('ehk,ko->eho', t, a_w) + a_b
    # segment softmax over incoming edges of each receiver (jraph semantics)
    m = jax.ops.segment_max(logits, receivers, num_segments=N)
    m = jnp.where(jnp.isfinite(m), m, 0.0)
    m = jax.lax.stop_gradient(m)
    ex = jnp.exp(logits - m[receivers])
    denom = jax.ops.segment_sum(ex, receivers, num_segments=N)
    w = ex / denom[receivers]
    # attention reduce + aggregate (segment_sum) into receiving nodes
    msgs = e_s * w
    agg = jax.ops.segment_sum(msgs, receivers, num_segments=N)
    # node update: rearrange '... h d -> ... (h d)'
    return agg.reshape(N, H * HD)

if __name__ == "__main__":
    import jax
    _d = setup_inputs()
    print(jax.jit(kernel)(*tuple(_d.values())))

</pallas_src>

<mosaic_0001>
#map = affine_map<(d0, d1) -> (0, 0)>
#map1 = affine_map<(d0, d1) -> (0, 0, 0)>
module attributes {stable_mosaic.version = 14 : i64} {
  func.func @_edge_body(%arg0: i32, %arg1: i32, %arg2: memref<10000x128xf32, #tpu.memory_space<hbm>>, %arg3: memref<10000x128xf32, #tpu.memory_space<hbm>>, %arg4: memref<32x125x80xi32, #tpu.memory_space<hbm>>, %arg5: memref<32x125x80xi32, #tpu.memory_space<hbm>>, %arg6: memref<2x16xf32, #tpu.memory_space<hbm>>, %arg7: memref<640x128xf32, #tpu.memory_space<hbm>>, %arg8: memref<640x16xf32, #tpu.memory_space<hbm>>, %arg9: memref<2x10240x128xf32, #tpu.memory_space<hbm>>, %arg10: memref<2x10240x16xf32, #tpu.memory_space<hbm>>, %arg11: memref<80xi32, #tpu.memory_space<vmem>>, %arg12: memref<80xi32, #tpu.memory_space<vmem>>, %arg13: memref<80x128xf32, #tpu.memory_space<vmem>>, %arg14: memref<80x128xf32, #tpu.memory_space<vmem>>, %arg15: memref<80x16xf32, #tpu.memory_space<vmem>>, %arg16: memref<2x16xf32, #tpu.memory_space<vmem>>, %arg17: memref<10240x128xf32, #tpu.memory_space<vmem_shared>>, %arg18: memref<10240x16xf32, #tpu.memory_space<vmem_shared>>, %arg19: memref<!tpu.dma_semaphore, #tpu.memory_space<semaphore_mem>>, %arg20: memref<!tpu.dma_semaphore, #tpu.memory_space<semaphore_mem>>, %arg21: memref<!tpu.dma_semaphore, #tpu.memory_space<semaphore_mem>>, %arg22: memref<!tpu.dma_semaphore, #tpu.memory_space<semaphore_mem>>, %arg23: memref<!tpu.dma_semaphore, #tpu.memory_space<semaphore_mem>>, %arg24: memref<!tpu.dma_semaphore, #tpu.memory_space<semaphore_mem>>) attributes {dimension_semantics = [#tpu.dimension_semantics<core_parallel>, #tpu.dimension_semantics<subcore_parallel>], iteration_bounds = array<i64: 2, 16>, scalar_prefetch = 0 : i64, scratch_operands = 14 : i64, tpu.core_type = #tpu.core_type<sc_vector_subcore>, window_params = [{transform_indices = #map}, {transform_indices = #map}, {transform_indices = #map1}, {transform_indices = #map1}, {transform_indices = #map}, {transform_indices = #map}, {transform_indices = #map}, {transform_indices = #map1}, {transform_indices = #map1}]} {
    %mul3A = arith.constant 2 : i32
    %mul3A_0 = arith.muli %arg1, %mul3A : i32
    %add3A = arith.addi %mul3A_0, %arg0 : i32
    %mul3A_1 = arith.constant 640 : i32
    %mul3A_2 = arith.muli %arg1, %mul3A_1 : i32
    "tpu.region"() ({
      %run_scoped3A = tpu.sem_alloc : memref<!tpu.dma_semaphore, #tpu.memory_space<semaphore_mem>>
      %dma_start3A = arith.constant 0 : i32
      %dma_start3A_39 = tpu.memref_slice %arg17[%mul3A_2, %dma_start3A] : memref<10240x128xf32, #tpu.memory_space<vmem_shared>> -> memref<640x128xf32, #tpu.memory_space<vmem_shared>>
      tpu.enqueue_dma source(%arg7 : memref<640x128xf32, #tpu.memory_space<hbm>>) target(%dma_start3A_39 : memref<640x128xf32, #tpu.memory_space<vmem_shared>>) target_semaphore(%run_scoped3A : memref<!tpu.dma_semaphore, #tpu.memory_space<semaphore_mem>>)
      %dma_wait3A = arith.constant 0 : i32
      %dma_wait3A_40 = tpu.memref_slice %arg17[%mul3A_2, %dma_wait3A] : memref<10240x128xf32, #tpu.memory_space<vmem_shared>> -> memref<640x128xf32, #tpu.memory_space<vmem_shared>>
      tpu.wait_dma2 semaphore(%run_scoped3A : memref<!tpu.dma_semaphore, #tpu.memory_space<semaphore_mem>>) src(%arg7 : memref<640x128xf32, #tpu.memory_space<hbm>>) dst(%dma_wait3A_40 : memref<640x128xf32, #tpu.memory_space<vmem_shared>>)
      tpu.yield
    }) : () -> ()
    %mul3A_3 = arith.constant 640 : i32
    %mul3A_4 = arith.muli %arg1, %mul3A_3 : i32
    "tpu.region"() ({
      %run_scoped3A = tpu.sem_alloc : memref<!tpu.dma_semaphore, #tpu.memory_space<semaphore_mem>>
      %dma_start3A = arith.constant 0 : i32
      %dma_start3A_39 = tpu.memref_slice %arg18[%mul3A_4, %dma_start3A] : memref<10240x16xf32, #tpu.memory_space<vmem_shared>> -> memref<640x16xf32, #tpu.memory_space<vmem_shared>>
      tpu.enqueue_dma source(%arg8 : memref<640x16xf32, #tpu.memory_space<hbm>>) target(%dma_start3A_39 : memref<640x16xf32, #tpu.memory_space<vmem_shared>>) target_semaphore(%run_scoped3A : memref<!tpu.dma_semaphore, #tpu.memory_space<semaphore_mem>>)
      %dma_wait3A = arith.constant 0 : i32
      %dma_wait3A_40 = tpu.memref_slice %arg18[%mul3A_4, %dma_wait3A] : memref<10240x16xf32, #tpu.memory_space<vmem_shared>> -> memref<640x16xf32, #tpu.memory_space<vmem_shared>>
      tpu.wait_dma2 semaphore(%run_scoped3A : memref<!tpu.dma_semaphore, #tpu.memory_space<semaphore_mem>>) src(%arg8 : memref<640x16xf32, #tpu.memory_space<hbm>>) dst(%dma_wait3A_40 : memref<640x16xf32, #tpu.memory_space<vmem_shared>>)
      tpu.yield
    }) : () -> ()
    "tpu.region"() ({
      %run_scoped3A = tpu.sem_alloc : memref<!tpu.dma_semaphore, #tpu.memory_space<semaphore_mem>>
      tpu.enqueue_dma source(%arg6 : memref<2x16xf32, #tpu.memory_space<hbm>>) target(%arg16 : memref<2x16xf32, #tpu.memory_space<vmem>>) target_semaphore(%run_scoped3A : memref<!tpu.dma_semaphore, #tpu.memory_space<semaphore_mem>>)
      tpu.wait_dma2 semaphore(%run_scoped3A : memref<!tpu.dma_semaphore, #tpu.memory_space<semaphore_mem>>) src(%arg6 : memref<2x16xf32, #tpu.memory_space<hbm>>) dst(%arg16 : memref<2x16xf32, #tpu.memory_space<vmem>>)
      tpu.yield
    }) : () -> ()
    %barrier3A = arith.constant 0 : index
    tpu.barrier barrier_id(%barrier3A)
    %get3A = arith.constant 0 : i32
    %get3A_5 = arith.index_cast %get3A : i32 to index
    %get3A_6 = arith.constant 0 : index
    %get3A_7 = tpu.vector_load %arg16[%get3A_5, %get3A_6] {strides = array<i32>} : memref<2x16xf32, #tpu.memory_space<vmem>>, vector<1x16xf32>,
    %get3A_8 = vector.shape_cast %get3A_7 : vector<1x16xf32> to vector<16xf32>
    %get3A_9 = arith.constant 1 : i32
    %get3A_10 = arith.index_cast %get3A_9 : i32 to index
    %get3A_11 = arith.constant 0 : index
    %get3A_12 = tpu.vector_load %arg16[%get3A_10, %get3A_11] {strides = array<i32>} : memref<2x16xf32, #tpu.memory_space<vmem>>, vector<1x16xf32>,
    %get3A_13 = vector.shape_cast %get3A_12 : vector<1x16xf32> to vector<16xf32>
    %iota3A = tpu.iota {dimensions = array<i32: 0>} : vector<16xi32>
    %xor3A = arith.constant 8 : i32
    %xor3A_14 = vector.broadcast %xor3A : i32 to vector<16xi32>
    %xor3A_15 = arith.xori %iota3A, %xor3A_14 : vector<16xi32>
    %xor3A_16 = arith.constant 4 : i32
    %xor3A_17 = vector.broadcast %xor3A_16 : i32 to vector<16xi32>
    %xor3A_18 = arith.xori %iota3A, %xor3A_17 : vector<16xi32>
    %xor3A_19 = arith.constant 2 : i32
    %xor3A_20 = vector.broadcast %xor3A_19 : i32 to vector<16xi32>
    %xor3A_21 = arith.xori %iota3A, %xor3A_20 : vector<16xi32>
    %xor3A_22 = arith.constant 1 : i32
    %xor3A_23 = vector.broadcast %xor3A_22 : i32 to vector<16xi32>
    %xor3A_24 = arith.xori %iota3A, %xor3A_23 : vector<16xi32>
    %scan3A = arith.constant 0 : i32
    %scan3A_25 = arith.constant 0 : i32
    %scan3A_26 = arith.constant 125 : i32
    %scan3A_27 = arith.addi %scan3A_25, %scan3A_26 : i32
    %scan3A_28 = arith.constant 1 : i32
    scf.for %scan3A_39 = %scan3A_25 to %scan3A_27 step %scan3A_28  : i32 {
      %dma_start3A = arith.constant 0 : i32
      %dma_start3A_40 = tpu.memref_slice %arg4[%add3A, %scan3A_39, %dma_start3A] : memref<32x125x80xi32, #tpu.memory_space<hbm>> -> memref<1x1x80xi32, #tpu.memory_space<hbm>>
      %dma_start3A_41 = tpu.memref_squeeze %dma_start3A_40 : memref<1x1x80xi32, #tpu.memory_space<hbm>> -> memref<80xi32, #tpu.memory_space<hbm>>
      %dma_start3A_42 = arith.constant 0 : i32
      %dma_start3A_43 = tpu.memref_slice %arg4[%add3A, %scan3A_39, %dma_start3A_42] : memref<32x125x80xi32, #tpu.memory_space<hbm>> -> memref<1x1x80xi32, #tpu.memory_space<hbm>>
      %dma_start3A_44 = tpu.memref_squeeze %dma_start3A_43 : memref<1x1x80xi32, #tpu.memory_space<hbm>> -> memref<80xi32, #tpu.memory_space<hbm>>
      tpu.enqueue_dma source(%dma_start3A_44 : memref<80xi32, #tpu.memory_space<hbm>>) target(%arg11 : memref<80xi32, #tpu.memory_space<vmem>>) target_semaphore(%arg19 : memref<!tpu.dma_semaphore, #tpu.memory_space<semaphore_mem>>)
      %dma_start3A_45 = arith.constant 0 : i32
      %dma_start3A_46 = tpu.memref_slice %arg5[%add3A, %scan3A_39, %dma_start3A_45] : memref<32x125x80xi32, #tpu.memory_space<hbm>> -> memref<1x1x80xi32, #tpu.memory_space<hbm>>
      %dma_start3A_47 = tpu.memref_squeeze %dma_start3A_46 : memref<1x1x80xi32, #tpu.memory_space<hbm>> -> memref<80xi32, #tpu.memory_space<hbm>>
      %dma_start3A_48 = arith.constant 0 : i32
      %dma_start3A_49 = tpu.memref_slice %arg5[%add3A, %scan3A_39, %dma_start3A_48] : memref<32x125x80xi32, #tpu.memory_space<hbm>> -> memref<1x1x80xi32, #tpu.memory_space<hbm>>
      %dma_start3A_50 = tpu.memref_squeeze %dma_start3A_49 : memref<1x1x80xi32, #tpu.memory_space<hbm>> -> memref<80xi32, #tpu.memory_space<hbm>>
      tpu.enqueue_dma source(%dma_start3A_50 : memref<80xi32, #tpu.memory_space<hbm>>) target(%arg12 : memref<80xi32, #tpu.memory_space<vmem>>) target_semaphore(%arg20 : memref<!tpu.dma_semaphore, #tpu.memory_space<semaphore_mem>>)
      %dma_wait3A = arith.constant 0 : i32
      %dma_wait3A_51 = tpu.memref_slice %arg4[%add3A, %scan3A_39, %dma_wait3A] : memref<32x125x80xi32, #tpu.memory_space<hbm>> -> memref<1x1x80xi32, #tpu.memory_space<hbm>>
      %dma_wait3A_52 = tpu.memref_squeeze %dma_wait3A_51 : memref<1x1x80xi32, #tpu.memory_space<hbm>> -> memref<80xi32, #tpu.memory_space<hbm>>
      %dma_wait3A_53 = arith.constant 0 : i32
      %dma_wait3A_54 = tpu.memref_slice %arg4[%add3A, %scan3A_39, %dma_wait3A_53] : memref<32x125x80xi32, #tpu.memory_space<hbm>> -> memref<1x1x80xi32, #tpu.memory_space<hbm>>
      %dma_wait3A_55 = tpu.memref_squeeze %dma_wait3A_54 : memref<1x1x80xi32, #tpu.memory_space<hbm>> -> memref<80xi32, #tpu.memory_space<hbm>>
      tpu.wait_dma2 semaphore(%arg19 : memref<!tpu.dma_semaphore, #tpu.memory_space<semaphore_mem>>) src(%dma_wait3A_55 : memref<80xi32, #tpu.memory_space<hbm>>) dst(%arg11 : memref<80xi32, #tpu.memory_space<vmem>>)
      %dma_start3A_56 = arith.constant 0 : i32
      %dma_start3A_57 = arith.constant 0 : i32
      %dma_start3A_58 = tpu.memref_slice %arg2[%dma_start3A_56, %dma_start3A_57] : memref<10000x128xf32, #tpu.memory_space<hbm>> -> memref<10000x128xf32, #tpu.memory_space<hbm>>
      tpu.enqueue_indirect_dma source(%dma_start3A_58 : memref<10000x128xf32, #tpu.memory_space<hbm>>) target(%arg13 : memref<80x128xf32, #tpu.memory_space<vmem>>) offsets(%arg11 : memref<80xi32, #tpu.memory_space<vmem>>) semaphore(%arg21 : memref<!tpu.dma_semaphore, #tpu.memory_space<semaphore_mem>>)
      %dma_wait3A_59 = arith.constant 0 : i32
      %dma_wait3A_60 = tpu.memref_slice %arg5[%add3A, %scan3A_39, %dma_wait3A_59] : memref<32x125x80xi32, #tpu.memory_space<hbm>> -> memref<1x1x80xi32, #tpu.memory_space<hbm>>
      %dma_wait3A_61 = tpu.memref_squeeze %dma_wait3A_60 : memref<1x1x80xi32, #tpu.memory_space<hbm>> -> memref<80xi32, #tpu.memory_space<hbm>>
      %dma_wait3A_62 = arith.constant 0 : i32
      %dma_wait3A_63 = tpu.memref_slice %arg5[%add3A, %scan3A_39, %dma_wait3A_62] : memref<32x125x80xi32, #tpu.memory_space<hbm>> -> memref<1x1x80xi32, #tpu.memory_space<hbm>>
      %dma_wait3A_64 = tpu.memref_squeeze %dma_wait3A_63 : memref<1x1x80xi32, #tpu.memory_space<hbm>> -> memref<80xi32, #tpu.memory_space<hbm>>
      tpu.wait_dma2 semaphore(%arg20 : memref<!tpu.dma_semaphore, #tpu.memory_space<semaphore_mem>>) src(%dma_wait3A_64 : memref<80xi32, #tpu.memory_space<hbm>>) dst(%arg12 : memref<80xi32, #tpu.memory_space<vmem>>)
      %dma_start3A_65 = arith.constant 0 : i32
      %dma_start3A_66 = arith.constant 0 : i32
      %dma_start3A_67 = tpu.memref_slice %arg3[%dma_start3A_65, %dma_start3A_66] : memref<10000x128xf32, #tpu.memory_space<hbm>> -> memref<10000x128xf32, #tpu.memory_space<hbm>>
      tpu.enqueue_indirect_dma source(%dma_start3A_67 : memref<10000x128xf32, #tpu.memory_space<hbm>>) target(%arg14 : memref<80x128xf32, #tpu.memory_space<vmem>>) offsets(%arg12 : memref<80xi32, #tpu.memory_space<vmem>>) semaphore(%arg22 : memref<!tpu.dma_semaphore, #tpu.memory_space<semaphore_mem>>)
      %dma_wait3A_68 = arith.constant 0 : i32
      %dma_wait3A_69 = arith.constant 0 : i32
      %dma_wait3A_70 = tpu.memref_slice %arg2[%dma_wait3A_68, %dma_wait3A_69] : memref<10000x128xf32, #tpu.memory_space<hbm>> -> memref<10000x128xf32, #tpu.memory_space<hbm>>
      tpu.wait_indirect_dma semaphore(%arg21 : memref<!tpu.dma_semaphore, #tpu.memory_space<semaphore_mem>>) src(%dma_wait3A_70 : memref<10000x128xf32, #tpu.memory_space<hbm>>) dst(%arg13 : memref<80x128xf32, #tpu.memory_space<vmem>>)
      %dma_wait3A_71 = arith.constant 0 : i32
      %dma_wait3A_72 = arith.constant 0 : i32
      %dma_wait3A_73 = tpu.memref_slice %arg3[%dma_wait3A_71, %dma_wait3A_72] : memref<10000x128xf32, #tpu.memory_space<hbm>> -> memref<10000x128xf32, #tpu.memory_space<hbm>>
      tpu.wait_indirect_dma semaphore(%arg22 : memref<!tpu.dma_semaphore, #tpu.memory_space<semaphore_mem>>) src(%dma_wait3A_73 : memref<10000x128xf32, #tpu.memory_space<hbm>>) dst(%arg14 : memref<80x128xf32, #tpu.memory_space<vmem>>)
      %scan3A_74 = arith.constant 0 : i32
      %scan3A_75 = arith.constant 0 : i32
      %scan3A_76 = arith.constant 80 : i32
      %scan3A_77 = arith.addi %scan3A_75, %scan3A_76 : i32
      %scan3A_78 = arith.constant 1 : i32
      scf.for %scan3A_92 = %scan3A_75 to %scan3A_77 step %scan3A_78  : i32 {
        %broadcast_in_dim3A = arith.constant 0.000000e+00 : f32
        %broadcast_in_dim3A_93 = vector.broadcast %broadcast_in_dim3A : f32 to vector<16xf32>
        %get3A_94 = arith.index_cast %scan3A_92 : i32 to index
        %get3A_95 = arith.constant 0 : index
        %get3A_96 = tpu.vector_load %arg13[%get3A_94, %get3A_95] {strides = array<i32>} : memref<80x128xf32, #tpu.memory_space<vmem>>, vector<1x16xf32>,
        %get3A_97 = vector.shape_cast %get3A_96 : vector<1x16xf32> to vector<16xf32>
        %get3A_98 = arith.index_cast %scan3A_92 : i32 to index
        %get3A_99 = arith.constant 0 : index
        %get3A_100 = tpu.vector_load %arg14[%get3A_98, %get3A_99] {strides = array<i32>} : memref<80x128xf32, #tpu.memory_space<vmem>>, vector<1x16xf32>,
        %get3A_101 = vector.shape_cast %get3A_100 : vector<1x16xf32> to vector<16xf32>
        %add3A_102 = arith.addf %get3A_97, %get3A_101 : vector<16xf32>
        %min3A = arith.constant 2.000000e+01 : f32
        %min3A_103 = vector.broadcast %min3A : f32 to vector<16xf32>
        %min3A_104 = arith.minimumf %add3A_102, %min3A_103 : vector<16xf32>
        %exp3A = math.exp %min3A_104 : vector<16xf32>
        %add3A_105 = arith.constant 2.000000e+00 : f32
        %add3A_106 = vector.broadcast %add3A_105 : f32 to vector<16xf32>
        %add3A_107 = arith.addf %exp3A, %add3A_106 : vector<16xf32>
        %mul3A_108 = arith.mulf %exp3A, %add3A_107 : vector<16xf32>
        %add3A_109 = arith.constant 2.000000e+00 : f32
        %add3A_110 = vector.broadcast %add3A_109 : f32 to vector<16xf32>
        %add3A_111 = arith.addf %mul3A_108, %add3A_110 : vector<16xf32>
        %div3A = arith.divf %mul3A_108, %add3A_111 : vector<16xf32>
        %mul3A_112 = arith.mulf %add3A_102, %div3A : vector<16xf32>
        %mul3A_113 = arith.mulf %mul3A_112, %get3A_8 : vector<16xf32>
        %broadcast_in_dim3A_114 = vector.shape_cast %xor3A_15 : vector<16xi32> to vector<16x1xi32>
        %gather3A = vector.shape_cast %broadcast_in_dim3A_114 : vector<16x1xi32> to vector<16xi32>
        %gather3A_115 = tpu.dynamic_gather %mul3A_113[%gather3A] in [0] : vector<16xf32>, vector<16xi32> -> vector<16xf32>
        %add3A_116 = arith.addf %mul3A_113, %gather3A_115 : vector<16xf32>
        %broadcast_in_dim3A_117 = vector.shape_cast %xor3A_18 : vector<16xi32> to vector<16x1xi32>
        %gather3A_118 = vector.shape_cast %broadcast_in_dim3A_117 : vector<16x1xi32> to vector<16xi32>
        %gather3A_119 = tpu.dynamic_gather %add3A_116[%gather3A_118] in [0] : vector<16xf32>, vector<16xi32> -> vector<16xf32>
        %add3A_120 = arith.addf %add3A_116, %gather3A_119 : vector<16xf32>
        %broadcast_in_dim3A_121 = vector.shape_cast %xor3A_21 : vector<16xi32> to vector<16x1xi32>
        %gather3A_122 = vector.shape_cast %broadcast_in_dim3A_121 : vector<16x1xi32> to vector<16xi32>
        %gather3A_123 = tpu.dynamic_gather %add3A_120[%gather3A_122] in [0] : vector<16xf32>, vector<16xi32> -> vector<16xf32>
        %add3A_124 = arith.addf %add3A_120, %gather3A_123 : vector<16xf32>
        %broadcast_in_dim3A_125 = vector.shape_cast %xor3A_24 : vector<16xi32> to vector<16x1xi32>
        %gather3A_126 = vector.shape_cast %broadcast_in_dim3A_125 : vector<16x1xi32> to vector<16xi32>
        %gather3A_127 = tpu.dynamic_gather %add3A_124[%gather3A_126] in [0] : vector<16xf32>, vector<16xi32> -> vector<16xf32>
        %add3A_128 = arith.addf %add3A_124, %gather3A_127 : vector<16xf32>
        %add3A_129 = arith.addf %add3A_128, %get3A_13 : vector<16xf32>
        %exp3A_130 = math.exp %add3A_129 : vector<16xf32>
        %mul3A_131 = arith.mulf %exp3A_130, %get3A_97 : vector<16xf32>
        %swap3A = arith.index_cast %scan3A_92 : i32 to index
        %swap3A_132 = arith.constant 0 : index
        %swap3A_133 = tpu.vector_load %arg13[%swap3A, %swap3A_132] {strides = array<i32>} : memref<80x128xf32, #tpu.memory_space<vmem>>, vector<1x16xf32>,
        %swap3A_134 = vector.shape_cast %swap3A_133 : vector<1x16xf32> to vector<16xf32>
        %swap3A_135 = vector.shape_cast %mul3A_131 : vector<16xf32> to vector<1x16xf32>
        tpu.vector_store %arg13[%swap3A, %swap3A_132], %swap3A_135 {strides = array<i32>} : memref<80x128xf32, #tpu.memory_space<vmem>>, vector<1x16xf32>,
        %eq3A = arith.constant 0 : i32
        %eq3A_136 = vector.broadcast %eq3A : i32 to vector<16xi32>
        %eq3A_137 = arith.cmpi eq, %iota3A, %eq3A_136 : vector<16xi32>
        %select_n3A = arith.select %eq3A_137, %exp3A_130, %broadcast_in_dim3A_93 : vector<16xi1>, vector<16xf32>
        %get3A_138 = arith.index_cast %scan3A_92 : i32 to index
        %get3A_139 = arith.constant 16 : index
        %get3A_140 = tpu.vector_load %arg13[%get3A_138, %get3A_139] {strides = array<i32>} : memref<80x128xf32, #tpu.memory_space<vmem>>, vector<1x16xf32>,
        %get3A_141 = vector.shape_cast %get3A_140 : vector<1x16xf32> to vector<16xf32>
        %get3A_142 = arith.index_cast %scan3A_92 : i32 to index
        %get3A_143 = arith.constant 16 : index
        %get3A_144 = tpu.vector_load %arg14[%get3A_142, %get3A_143] {strides = array<i32>} : memref<80x128xf32, #tpu.memory_space<vmem>>, vector<1x16xf32>,
        %get3A_145 = vector.shape_cast %get3A_144 : vector<1x16xf32> to vector<16xf32>
        %add3A_146 = arith.addf %get3A_141, %get3A_145 : vector<16xf32>
        %min3A_147 = arith.constant 2.000000e+01 : f32
        %min3A_148 = vector.broadcast %min3A_147 : f32 to vector<16xf32>
        %min3A_149 = arith.minimumf %add3A_146, %min3A_148 : vector<16xf32>
        %exp3A_150 = math.exp %min3A_149 : vector<16xf32>
        %add3A_151 = arith.constant 2.000000e+00 : f32
        %add3A_152 = vector.broadcast %add3A_151 : f32 to vector<16xf32>
        %add3A_153 = arith.addf %exp3A_150, %add3A_152 : vector<16xf32>
        %mul3A_154 = arith.mulf %exp3A_150, %add3A_153 : vector<16xf32>
        %add3A_155 = arith.constant 2.000000e+00 : f32
        %add3A_156 = vector.broadcast %add3A_155 : f32 to vector<16xf32>
        %add3A_157 = arith.addf %mul3A_154, %add3A_156 : vector<16xf32>
        %div3A_158 = arith.divf %mul3A_154, %add3A_157 : vector<16xf32>
        %mul3A_159 = arith.mulf %add3A_146, %div3A_158 : vector<16xf32>
        %mul3A_160 = arith.mulf %mul3A_159, %get3A_8 : vector<16xf32>
        %broadcast_in_dim3A_161 = vector.shape_cast %xor3A_15 : vector<16xi32> to vector<16x1xi32>
        %gather3A_162 = vector.shape_cast %broadcast_in_dim3A_161 : vector<16x1xi32> to vector<16xi32>
        %gather3A_163 = tpu.dynamic_gather %mul3A_160[%gather3A_162] in [0] : vector<16xf32>, vector<16xi32> -> vector<16xf32>
        %add3A_164 = arith.addf %mul3A_160, %gather3A_163 : vector<16xf32>
        %broadcast_in_dim3A_165 = vector.shape_cast %xor3A_18 : vector<16xi32> to vector<16x1xi32>
        %gather3A_166 = vector.shape_cast %broadcast_in_dim3A_165 : vector<16x1xi32> to vector<16xi32>
        %gather3A_167 = tpu.dynamic_gather %add3A_164[%gather3A_166] in [0] : vector<16xf32>, vector<16xi32> -> vector<16xf32>
        %add3A_168 = arith.addf %add3A_164, %gather3A_167 : vector<16xf32>
        %broadcast_in_dim3A_169 = vector.shape_cast %xor3A_21 : vector<16xi32> to vector<16x1xi32>
        %gather3A_170 = vector.shape_cast %broadcast_in_dim3A_169 : vector<16x1xi32> to vector<16xi32>
        %gather3A_171 = tpu.dynamic_gather %add3A_168[%gather3A_170] in [0] : vector<16xf32>, vector<16xi32> -> vector<16xf32>
        %add3A_172 = arith.addf %add3A_168, %gather3A_171 : vector<16xf32>
        %broadcast_in_dim3A_173 = vector.shape_cast %xor3A_24 : vector<16xi32> to vector<16x1xi32>
        %gather3A_174 = vector.shape_cast %broadcast_in_dim3A_173 : vector<16x1xi32> to vector<16xi32>
        %gather3A_175 = tpu.dynamic_gather %add3A_172[%gather3A_174] in [0] : vector<16xf32>, vector<16xi32> -> vector<16xf32>
        %add3A_176 = arith.addf %add3A_172, %gather3A_175 : vector<16xf32>
        %add3A_177 = arith.addf %add3A_176, %get3A_13 : vector<16xf32>
        %exp3A_178 = math.exp %add3A_177 : vector<16xf32>
        %mul3A_179 = arith.mulf %exp3A_178, %get3A_141 : vector<16xf32>
        %swap3A_180 = arith.index_cast %scan3A_92 : i32 to index
        %swap3A_181 = arith.constant 16 : index
        %swap3A_182 = tpu.vector_load %arg13[%swap3A_180, %swap3A_181] {strides = array<i32>} : memref<80x128xf32, #tpu.memory_space<vmem>>, vector<1x16xf32>,
        %swap3A_183 = vector.shape_cast %swap3A_182 : vector<1x16xf32> to vector<16xf32>
        %swap3A_184 = vector.shape_cast %mul3A_179 : vector<16xf32> to vector<1x16xf32>
        tpu.vector_store %arg13[%swap3A_180, %swap3A_181], %swap3A_184 {strides = array<i32>} : memref<80x128xf32, #tpu.memory_space<vmem>>, vector<1x16xf32>,
        %eq3A_185 = arith.constant 1 : i32
        %eq3A_186 = vector.broadcast %eq3A_185 : i32 to vector<16xi32>
        %eq3A_187 = arith.cmpi eq, %iota3A, %eq3A_186 : vector<16xi32>
        %select_n3A_188 = arith.select %eq3A_187, %exp3A_178, %select_n3A : vector<16xi1>, vector<16xf32>
        %get3A_189 = arith.index_cast %scan3A_92 : i32 to index
        %get3A_190 = arith.constant 32 : index
        %get3A_191 = tpu.vector_load %arg13[%get3A_189, %get3A_190] {strides = array<i32>} : memref<80x128xf32, #tpu.memory_space<vmem>>, vector<1x16xf32>,
        %get3A_192 = vector.shape_cast %get3A_191 : vector<1x16xf32> to vector<16xf32>
        %get3A_193 = arith.index_cast %scan3A_92 : i32 to index
        %get3A_194 = arith.constant 32 : index
        %get3A_195 = tpu.vector_load %arg14[%get3A_193, %get3A_194] {strides = array<i32>} : memref<80x128xf32, #tpu.memory_space<vmem>>, vector<1x16xf32>,
        %get3A_196 = vector.shape_cast %get3A_195 : vector<1x16xf32> to vector<16xf32>
        %add3A_197 = arith.addf %get3A_192, %get3A_196 : vector<16xf32>
        %min3A_198 = arith.constant 2.000000e+01 : f32
        %min3A_199 = vector.broadcast %min3A_198 : f32 to vector<16xf32>
        %min3A_200 = arith.minimumf %add3A_197, %min3A_199 : vector<16xf32>
        %exp3A_201 = math.exp %min3A_200 : vector<16xf32>
        %add3A_202 = arith.constant 2.000000e+00 : f32
        %add3A_203 = vector.broadcast %add3A_202 : f32 to vector<16xf32>
        %add3A_204 = arith.addf %exp3A_201, %add3A_203 : vector<16xf32>
        %mul3A_205 = arith.mulf %exp3A_201, %add3A_204 : vector<16xf32>
        %add3A_206 = arith.constant 2.000000e+00 : f32
        %add3A_207 = vector.broadcast %add3A_206 : f32 to vector<16xf32>
        %add3A_208 = arith.addf %mul3A_205, %add3A_207 : vector<16xf32>
        %div3A_209 = arith.divf %mul3A_205, %add3A_208 : vector<16xf32>
        %mul3A_210 = arith.mulf %add3A_197, %div3A_209 : vector<16xf32>
        %mul3A_211 = arith.mulf %mul3A_210, %get3A_8 : vector<16xf32>
        %broadcast_in_dim3A_212 = vector.shape_cast %xor3A_15 : vector<16xi32> to vector<16x1xi32>
        %gather3A_213 = vector.shape_cast %broadcast_in_dim3A_212 : vector<16x1xi32> to vector<16xi32>
        %gather3A_214 = tpu.dynamic_gather %mul3A_211[%gather3A_213] in [0] : vector<16xf32>, vector<16xi32> -> vector<16xf32>
        %add3A_215 = arith.addf %mul3A_211, %gather3A_214 : vector<16xf32>
        %broadcast_in_dim3A_216 = vector.shape_cast %xor3A_18 : vector<16xi32> to vector<16x1xi32>
        %gather3A_217 = vector.shape_cast %broadcast_in_dim3A_216 : vector<16x1xi32> to vector<16xi32>
        %gather3A_218 = tpu.dynamic_gather %add3A_215[%gather3A_217] in [0] : vector<16xf32>, vector<16xi32> -> vector<16xf32>
        %add3A_219 = arith.addf %add3A_215, %gather3A_218 : vector<16xf32>
        %broadcast_in_dim3A_220 = vector.shape_cast %xor3A_21 : vector<16xi32> to vector<16x1xi32>
        %gather3A_221 = vector.shape_cast %broadcast_in_dim3A_220 : vector<16x1xi32> to vector<16xi32>
        %gather3A_222 = tpu.dynamic_gather %add3A_219[%gather3A_221] in [0] : vector<16xf32>, vector<16xi32> -> vector<16xf32>
        %add3A_223 = arith.addf %add3A_219, %gather3A_222 : vector<16xf32>
        %broadcast_in_dim3A_224 = vector.shape_cast %xor3A_24 : vector<16xi32> to vector<16x1xi32>
        %gather3A_225 = vector.shape_cast %broadcast_in_dim3A_224 : vector<16x1xi32> to vector<16xi32>
        %gather3A_226 = tpu.dynamic_gather %add3A_223[%gather3A_225] in [0] : vector<16xf32>, vector<16xi32> -> vector<16xf32>
        %add3A_227 = arith.addf %add3A_223, %gather3A_226 : vector<16xf32>
        %add3A_228 = arith.addf %add3A_227, %get3A_13 : vector<16xf32>
        %exp3A_229 = math.exp %add3A_228 : vector<16xf32>
        %mul3A_230 = arith.mulf %exp3A_229, %get3A_192 : vector<16xf32>
        %swap3A_231 = arith.index_cast %scan3A_92 : i32 to index
        %swap3A_232 = arith.constant 32 : index
        %swap3A_233 = tpu.vector_load %arg13[%swap3A_231, %swap3A_232] {strides = array<i32>} : memref<80x128xf32, #tpu.memory_space<vmem>>, vector<1x16xf32>,
        %swap3A_234 = vector.shape_cast %swap3A_233 : vector<1x16xf32> to vector<16xf32>
        %swap3A_235 = vector.shape_cast %mul3A_230 : vector<16xf32> to vector<1x16xf32>
        tpu.vector_store %arg13[%swap3A_231, %swap3A_232], %swap3A_235 {strides = array<i32>} : memref<80x128xf32, #tpu.memory_space<vmem>>, vector<1x16xf32>,
        %eq3A_236 = arith.constant 2 : i32
        %eq3A_237 = vector.broadcast %eq3A_236 : i32 to vector<16xi32>
        %eq3A_238 = arith.cmpi eq, %iota3A, %eq3A_237 : vector<16xi32>
        %select_n3A_239 = arith.select %eq3A_238, %exp3A_229, %select_n3A_188 : vector<16xi1>, vector<16xf32>
        %get3A_240 = arith.index_cast %scan3A_92 : i32 to index
        %get3A_241 = arith.constant 48 : index
        %get3A_242 = tpu.vector_load %arg13[%get3A_240, %get3A_241] {strides = array<i32>} : memref<80x128xf32, #tpu.memory_space<vmem>>, vector<1x16xf32>,
        %get3A_243 = vector.shape_cast %get3A_242 : vector<1x16xf32> to vector<16xf32>
        %get3A_244 = arith.index_cast %scan3A_92 : i32 to index
        %get3A_245 = arith.constant 48 : index
        %get3A_246 = tpu.vector_load %arg14[%get3A_244, %get3A_245] {strides = array<i32>} : memref<80x128xf32, #tpu.memory_space<vmem>>, vector<1x16xf32>,
        %get3A_247 = vector.shape_cast %get3A_246 : vector<1x16xf32> to vector<16xf32>
        %add3A_248 = arith.addf %get3A_243, %get3A_247 : vector<16xf32>
        %min3A_249 = arith.constant 2.000000e+01 : f32
        %min3A_250 = vector.broadcast %min3A_249 : f32 to vector<16xf32>
        %min3A_251 = arith.minimumf %add3A_248, %min3A_250 : vector<16xf32>
        %exp3A_252 = math.exp %min3A_251 : vector<16xf32>
        %add3A_253 = arith.constant 2.000000e+00 : f32
        %add3A_254 = vector.broadcast %add3A_253 : f32 to vector<16xf32>
        %add3A_255 = arith.addf %exp3A_252, %add3A_254 : vector<16xf32>
        %mul3A_256 = arith.mulf %exp3A_252, %add3A_255 : vector<16xf32>
        %add3A_257 = arith.constant 2.000000e+00 : f32
        %add3A_258 = vector.broadcast %add3A_257 : f32 to vector<16xf32>
        %add3A_259 = arith.addf %mul3A_256, %add3A_258 : vector<16xf32>
        %div3A_260 = arith.divf %mul3A_256, %add3A_259 : vector<16xf32>
        %mul3A_261 = arith.mulf %add3A_248, %div3A_260 : vector<16xf32>
        %mul3A_262 = arith.mulf %mul3A_261, %get3A_8 : vector<16xf32>
        %broadcast_in_dim3A_263 = vector.shape_cast %xor3A_15 : vector<16xi32> to vector<16x1xi32>
        %gather3A_264 = vector.shape_cast %broadcast_in_dim3A_263 : vector<16x1xi32> to vector<16xi32>
        %gather3A_265 = tpu.dynamic_gather %mul3A_262[%gather3A_264] in [0] : vector<16xf32>, vector<16xi32> -> vector<16xf32>
        %add3A_266 = arith.addf %mul3A_262, %gather3A_265 : vector<16xf32>
        %broadcast_in_dim3A_267 = vector.shape_cast %xor3A_18 : vector<16xi32> to vector<16x1xi32>
        %gather3A_268 = vector.shape_cast %broadcast_in_dim3A_267 : vector<16x1xi32> to vector<16xi32>
        %gather3A_269 = tpu.dynamic_gather %add3A_266[%gather3A_268] in [0] : vector<16xf32>, vector<16xi32> -> vector<16xf32>
        %add3A_270 = arith.addf %add3A_266, %gather3A_269 : vector<16xf32>
        %broadcast_in_dim3A_271 = vector.shape_cast %xor3A_21 : vector<16xi32> to vector<16x1xi32>
        %gather3A_272 = vector.shape_cast %broadcast_in_dim3A_271 : vector<16x1xi32> to vector<16xi32>
        %gather3A_273 = tpu.dynamic_gather %add3A_270[%gather3A_272] in [0] : vector<16xf32>, vector<16xi32> -> vector<16xf32>
        %add3A_274 = arith.addf %add3A_270, %gather3A_273 : vector<16xf32>
        %broadcast_in_dim3A_275 = vector.shape_cast %xor3A_24 : vector<16xi32> to vector<16x1xi32>
        %gather3A_276 = vector.shape_cast %broadcast_in_dim3A_275 : vector<16x1xi32> to vector<16xi32>
        %gather3A_277 = tpu.dynamic_gather %add3A_274[%gather3A_276] in [0] : vector<16xf32>, vector<16xi32> -> vector<16xf32>
        %add3A_278 = arith.addf %add3A_274, %gather3A_277 : vector<16xf32>
        %add3A_279 = arith.addf %add3A_278, %get3A_13 : vector<16xf32>
        %exp3A_280 = math.exp %add3A_279 : vector<16xf32>
        %mul3A_281 = arith.mulf %exp3A_280, %get3A_243 : vector<16xf32>
        %swap3A_282 = arith.index_cast %scan3A_92 : i32 to index
        %swap3A_283 = arith.constant 48 : index
        %swap3A_284 = tpu.vector_load %arg13[%swap3A_282, %swap3A_283] {strides = array<i32>} : memref<80x128xf32, #tpu.memory_space<vmem>>, vector<1x16xf32>,
        %swap3A_285 = vector.shape_cast %swap3A_284 : vector<1x16xf32> to vector<16xf32>
        %swap3A_286 = vector.shape_cast %mul3A_281 : vector<16xf32> to vector<1x16xf32>
        tpu.vector_store %arg13[%swap3A_282, %swap3A_283], %swap3A_286 {strides = array<i32>} : memref<80x128xf32, #tpu.memory_space<vmem>>, vector<1x16xf32>,
        %eq3A_287 = arith.constant 3 : i32
        %eq3A_288 = vector.broadcast %eq3A_287 : i32 to vector<16xi32>
        %eq3A_289 = arith.cmpi eq, %iota3A, %eq3A_288 : vector<16xi32>
        %select_n3A_290 = arith.select %eq3A_289, %exp3A_280, %select_n3A_239 : vector<16xi1>, vector<16xf32>
        %get3A_291 = arith.index_cast %scan3A_92 : i32 to index
        %get3A_292 = arith.constant 64 : index
        %get3A_293 = tpu.vector_load %arg13[%get3A_291, %get3A_292] {strides = array<i32>} : memref<80x128xf32, #tpu.memory_space<vmem>>, vector<1x16xf32>,
        %get3A_294 = vector.shape_cast %get3A_293 : vector<1x16xf32> to vector<16xf32>
        %get3A_295 = arith.index_cast %scan3A_92 : i32 to index
        %get3A_296 = arith.constant 64 : index
        %get3A_297 = tpu.vector_load %arg14[%get3A_295, %get3A_296] {strides = array<i32>} : memref<80x128xf32, #tpu.memory_space<vmem>>, vector<1x16xf32>,
        %get3A_298 = vector.shape_cast %get3A_297 : vector<1x16xf32> to vector<16xf32>
        %add3A_299 = arith.addf %get3A_294, %get3A_298 : vector<16xf32>
        %min3A_300 = arith.constant 2.000000e+01 : f32
        %min3A_301 = vector.broadcast %min3A_300 : f32 to vector<16xf32>
        %min3A_302 = arith.minimumf %add3A_299, %min3A_301 : vector<16xf32>
        %exp3A_303 = math.exp %min3A_302 : vector<16xf32>
        %add3A_304 = arith.constant 2.000000e+00 : f32
        %add3A_305 = vector.broadcast %add3A_304 : f32 to vector<16xf32>
        %add3A_306 = arith.addf %exp3A_303, %add3A_305 : vector<16xf32>
        %mul3A_307 = arith.mulf %exp3A_303, %add3A_306 : vector<16xf32>
        %add3A_308 = arith.constant 2.000000e+00 : f32
        %add3A_309 = vector.broadcast %add3A_308 : f32 to vector<16xf32>
        %add3A_310 = arith.addf %mul3A_307, %add3A_309 : vector<16xf32>
        %div3A_311 = arith.divf %mul3A_307, %add3A_310 : vector<16xf32>
        %mul3A_312 = arith.mulf %add3A_299, %div3A_311 : vector<16xf32>
        %mul3A_313 = arith.mulf %mul3A_312, %get3A_8 : vector<16xf32>
        %broadcast_in_dim3A_314 = vector.shape_cast %xor3A_15 : vector<16xi32> to vector<16x1xi32>
        %gather3A_315 = vector.shape_cast %broadcast_in_dim3A_314 : vector<16x1xi32> to vector<16xi32>
        %gather3A_316 = tpu.dynamic_gather %mul3A_313[%gather3A_315] in [0] : vector<16xf32>, vector<16xi32> -> vector<16xf32>
        %add3A_317 = arith.addf %mul3A_313, %gather3A_316 : vector<16xf32>
        %broadcast_in_dim3A_318 = vector.shape_cast %xor3A_18 : vector<16xi32> to vector<16x1xi32>
        %gather3A_319 = vector.shape_cast %broadcast_in_dim3A_318 : vector<16x1xi32> to vector<16xi32>
        %gather3A_320 = tpu.dynamic_gather %add3A_317[%gather3A_319] in [0] : vector<16xf32>, vector<16xi32> -> vector<16xf32>
        %add3A_321 = arith.addf %add3A_317, %gather3A_320 : vector<16xf32>
        %broadcast_in_dim3A_322 = vector.shape_cast %xor3A_21 : vector<16xi32> to vector<16x1xi32>
        %gather3A_323 = vector.shape_cast %broadcast_in_dim3A_322 : vector<16x1xi32> to vector<16xi32>
        %gather3A_324 = tpu.dynamic_gather %add3A_321[%gather3A_323] in [0] : vector<16xf32>, vector<16xi32> -> vector<16xf32>
        %add3A_325 = arith.addf %add3A_321, %gather3A_324 : vector<16xf32>
        %broadcast_in_dim3A_326 = vector.shape_cast %xor3A_24 : vector<16xi32> to vector<16x1xi32>
        %gather3A_327 = vector.shape_cast %broadcast_in_dim3A_326 : vector<16x1xi32> to vector<16xi32>
        %gather3A_328 = tpu.dynamic_gather %add3A_325[%gather3A_327] in [0] : vector<16xf32>, vector<16xi32> -> vector<16xf32>
        %add3A_329 = arith.addf %add3A_325, %gather3A_328 : vector<16xf32>
        %add3A_330 = arith.addf %add3A_329, %get3A_13 : vector<16xf32>
        %exp3A_331 = math.exp %add3A_330 : vector<16xf32>
        %mul3A_332 = arith.mulf %exp3A_331, %get3A_294 : vector<16xf32>
        %swap3A_333 = arith.index_cast %scan3A_92 : i32 to index
        %swap3A_334 = arith.constant 64 : index
        %swap3A_335 = tpu.vector_load %arg13[%swap3A_333, %swap3A_334] {strides = array<i32>} : memref<80x128xf32, #tpu.memory_space<vmem>>, vector<1x16xf32>,
        %swap3A_336 = vector.shape_cast %swap3A_335 : vector<1x16xf32> to vector<16xf32>
        %swap3A_337 = vector.shape_cast %mul3A_332 : vector<16xf32> to vector<1x16xf32>
        tpu.vector_store %arg13[%swap3A_333, %swap3A_334], %swap3A_337 {strides = array<i32>} : memref<80x128xf32, #tpu.memory_space<vmem>>, vector<1x16xf32>,
        %eq3A_338 = arith.constant 4 : i32
        %eq3A_339 = vector.broadcast %eq3A_338 : i32 to vector<16xi32>
        %eq3A_340 = arith.cmpi eq, %iota3A, %eq3A_339 : vector<16xi32>
        %select_n3A_341 = arith.select %eq3A_340, %exp3A_331, %select_n3A_290 : vector<16xi1>, vector<16xf32>
        %get3A_342 = arith.index_cast %scan3A_92 : i32 to index
        %get3A_343 = arith.constant 80 : index
        %get3A_344 = tpu.vector_load %arg13[%get3A_342, %get3A_343] {strides = array<i32>} : memref<80x128xf32, #tpu.memory_space<vmem>>, vector<1x16xf32>,
        %get3A_345 = vector.shape_cast %get3A_344 : vector<1x16xf32> to vector<16xf32>
        %get3A_346 = arith.index_cast %scan3A_92 : i32 to index
        %get3A_347 = arith.constant 80 : index
        %get3A_348 = tpu.vector_load %arg14[%get3A_346, %get3A_347] {strides = array<i32>} : memref<80x128xf32, #tpu.memory_space<vmem>>, vector<1x16xf32>,
        %get3A_349 = vector.shape_cast %get3A_348 : vector<1x16xf32> to vector<16xf32>
        %add3A_350 = arith.addf %get3A_345, %get3A_349 : vector<16xf32>
        %min3A_351 = arith.constant 2.000000e+01 : f32
        %min3A_352 = vector.broadcast %min3A_351 : f32 to vector<16xf32>
        %min3A_353 = arith.minimumf %add3A_350, %min3A_352 : vector<16xf32>
        %exp3A_354 = math.exp %min3A_353 : vector<16xf32>
        %add3A_355 = arith.constant 2.000000e+00 : f32
        %add3A_356 = vector.broadcast %add3A_355 : f32 to vector<16xf32>
        %add3A_357 = arith.addf %exp3A_354, %add3A_356 : vector<16xf32>
        %mul3A_358 = arith.mulf %exp3A_354, %add3A_357 : vector<16xf32>
        %add3A_359 = arith.constant 2.000000e+00 : f32
        %add3A_360 = vector.broadcast %add3A_359 : f32 to vector<16xf32>
        %add3A_361 = arith.addf %mul3A_358, %add3A_360 : vector<16xf32>
        %div3A_362 = arith.divf %mul3A_358, %add3A_361 : vector<16xf32>
        %mul3A_363 = arith.mulf %add3A_350, %div3A_362 : vector<16xf32>
        %mul3A_364 = arith.mulf %mul3A_363, %get3A_8 : vector<16xf32>
        %broadcast_in_dim3A_365 = vector.shape_cast %xor3A_15 : vector<16xi32> to vector<16x1xi32>
        %gather3A_366 = vector.shape_cast %broadcast_in_dim3A_365 : vector<16x1xi32> to vector<16xi32>
        %gather3A_367 = tpu.dynamic_gather %mul3A_364[%gather3A_366] in [0] : vector<16xf32>, vector<16xi32> -> vector<16xf32>
        %add3A_368 = arith.addf %mul3A_364, %gather3A_367 : vector<16xf32>
        %broadcast_in_dim3A_369 = vector.shape_cast %xor3A_18 : vector<16xi32> to vector<16x1xi32>
        %gather3A_370 = vector.shape_cast %broadcast_in_dim3A_369 : vector<16x1xi32> to vector<16xi32>
        %gather3A_371 = tpu.dynamic_gather %add3A_368[%gather3A_370] in [0] : vector<16xf32>, vector<16xi32> -> vector<16xf32>
        %add3A_372 = arith.addf %add3A_368, %gather3A_371 : vector<16xf32>
        %broadcast_in_dim3A_373 = vector.shape_cast %xor3A_21 : vector<16xi32> to vector<16x1xi32>
        %gather3A_374 = vector.shape_cast %broadcast_in_dim3A_373 : vector<16x1xi32> to vector<16xi32>
        %gather3A_375 = tpu.dynamic_gather %add3A_372[%gather3A_374] in [0] : vector<16xf32>, vector<16xi32> -> vector<16xf32>
        %add3A_376 = arith.addf %add3A_372, %gather3A_375 : vector<16xf32>
        %broadcast_in_dim3A_377 = vector.shape_cast %xor3A_24 : vector<16xi32> to vector<16x1xi32>
        %gather3A_378 = vector.shape_cast %broadcast_in_dim3A_377 : vector<16x1xi32> to vector<16xi32>
        %gather3A_379 = tpu.dynamic_gather %add3A_376[%gather3A_378] in [0] : vector<16xf32>, vector<16xi32> -> vector<16xf32>
        %add3A_380 = arith.addf %add3A_376, %gather3A_379 : vector<16xf32>
        %add3A_381 = arith.addf %add3A_380, %get3A_13 : vector<16xf32>
        %exp3A_382 = math.exp %add3A_381 : vector<16xf32>
        %mul3A_383 = arith.mulf %exp3A_382, %get3A_345 : vector<16xf32>
        %swap3A_384 = arith.index_cast %scan3A_92 : i32 to index
        %swap3A_385 = arith.constant 80 : index
        %swap3A_386 = tpu.vector_load %arg13[%swap3A_384, %swap3A_385] {strides = array<i32>} : memref<80x128xf32, #tpu.memory_space<vmem>>, vector<1x16xf32>,
        %swap3A_387 = vector.shape_cast %swap3A_386 : vector<1x16xf32> to vector<16xf32>
        %swap3A_388 = vector.shape_cast %mul3A_383 : vector<16xf32> to vector<1x16xf32>
        tpu.vector_store %arg13[%swap3A_384, %swap3A_385], %swap3A_388 {strides = array<i32>} : memref<80x128xf32, #tpu.memory_space<vmem>>, vector<1x16xf32>,
        %eq3A_389 = arith.constant 5 : i32
        %eq3A_390 = vector.broadcast %eq3A_389 : i32 to vector<16xi32>
        %eq3A_391 = arith.cmpi eq, %iota3A, %eq3A_390 : vector<16xi32>
        %select_n3A_392 = arith.select %eq3A_391, %exp3A_382, %select_n3A_341 : vector<16xi1>, vector<16xf32>
        %get3A_393 = arith.index_cast %scan3A_92 : i32 to index
        %get3A_394 = arith.constant 96 : index
        %get3A_395 = tpu.vector_load %arg13[%get3A_393, %get3A_394] {strides = array<i32>} : memref<80x128xf32, #tpu.memory_space<vmem>>, vector<1x16xf32>,
        %get3A_396 = vector.shape_cast %get3A_395 : vector<1x16xf32> to vector<16xf32>
        %get3A_397 = arith.index_cast %scan3A_92 : i32 to index
        %get3A_398 = arith.constant 96 : index
        %get3A_399 = tpu.vector_load %arg14[%get3A_397, %get3A_398] {strides = array<i32>} : memref<80x128xf32, #tpu.memory_space<vmem>>, vector<1x16xf32>,
        %get3A_400 = vector.shape_cast %get3A_399 : vector<1x16xf32> to vector<16xf32>
        %add3A_401 = arith.addf %get3A_396, %get3A_400 : vector<16xf32>
        %min3A_402 = arith.constant 2.000000e+01 : f32
        %min3A_403 = vector.broadcast %min3A_402 : f32 to vector<16xf32>
        %min3A_404 = arith.minimumf %add3A_401, %min3A_403 : vector<16xf32>
        %exp3A_405 = math.exp %min3A_404 : vector<16xf32>
        %add3A_406 = arith.constant 2.000000e+00 : f32
        %add3A_407 = vector.broadcast %add3A_406 : f32 to vector<16xf32>
        %add3A_408 = arith.addf %exp3A_405, %add3A_407 : vector<16xf32>
        %mul3A_409 = arith.mulf %exp3A_405, %add3A_408 : vector<16xf32>
        %add3A_410 = arith.constant 2.000000e+00 : f32
        %add3A_411 = vector.broadcast %add3A_410 : f32 to vector<16xf32>
        %add3A_412 = arith.addf %mul3A_409, %add3A_411 : vector<16xf32>
        %div3A_413 = arith.divf %mul3A_409, %add3A_412 : vector<16xf32>
        %mul3A_414 = arith.mulf %add3A_401, %div3A_413 : vector<16xf32>
        %mul3A_415 = arith.mulf %mul3A_414, %get3A_8 : vector<16xf32>
        %broadcast_in_dim3A_416 = vector.shape_cast %xor3A_15 : vector<16xi32> to vector<16x1xi32>
        %gather3A_417 = vector.shape_cast %broadcast_in_dim3A_416 : vector<16x1xi32> to vector<16xi32>
        %gather3A_418 = tpu.dynamic_gather %mul3A_415[%gather3A_417] in [0] : vector<16xf32>, vector<16xi32> -> vector<16xf32>
        %add3A_419 = arith.addf %mul3A_415, %gather3A_418 : vector<16xf32>
        %broadcast_in_dim3A_420 = vector.shape_cast %xor3A_18 : vector<16xi32> to vector<16x1xi32>
        %gather3A_421 = vector.shape_cast %broadcast_in_dim3A_420 : vector<16x1xi32> to vector<16xi32>
        %gather3A_422 = tpu.dynamic_gather %add3A_419[%gather3A_421] in [0] : vector<16xf32>, vector<16xi32> -> vector<16xf32>
        %add3A_423 = arith.addf %add3A_419, %gather3A_422 : vector<16xf32>
        %broadcast_in_dim3A_424 = vector.shape_cast %xor3A_21 : vector<16xi32> to vector<16x1xi32>
        %gather3A_425 = vector.shape_cast %broadcast_in_dim3A_424 : vector<16x1xi32> to vector<16xi32>
        %gather3A_426 = tpu.dynamic_gather %add3A_423[%gather3A_425] in [0] : vector<16xf32>, vector<16xi32> -> vector<16xf32>
        %add3A_427 = arith.addf %add3A_423, %gather3A_426 : vector<16xf32>
        %broadcast_in_dim3A_428 = vector.shape_cast %xor3A_24 : vector<16xi32> to vector<16x1xi32>
        %gather3A_429 = vector.shape_cast %broadcast_in_dim3A_428 : vector<16x1xi32> to vector<16xi32>
        %gather3A_430 = tpu.dynamic_gather %add3A_427[%gather3A_429] in [0] : vector<16xf32>, vector<16xi32> -> vector<16xf32>
        %add3A_431 = arith.addf %add3A_427, %gather3A_430 : vector<16xf32>
        %add3A_432 = arith.addf %add3A_431, %get3A_13 : vector<16xf32>
        %exp3A_433 = math.exp %add3A_432 : vector<16xf32>
        %mul3A_434 = arith.mulf %exp3A_433, %get3A_396 : vector<16xf32>
        %swap3A_435 = arith.index_cast %scan3A_92 : i32 to index
        %swap3A_436 = arith.constant 96 : index
        %swap3A_437 = tpu.vector_load %arg13[%swap3A_435, %swap3A_436] {strides = array<i32>} : memref<80x128xf32, #tpu.memory_space<vmem>>, vector<1x16xf32>,
        %swap3A_438 = vector.shape_cast %swap3A_437 : vector<1x16xf32> to vector<16xf32>
        %swap3A_439 = vector.shape_cast %mul3A_434 : vector<16xf32> to vector<1x16xf32>
        tpu.vector_store %arg13[%swap3A_435, %swap3A_436], %swap3A_439 {strides = array<i32>} : memref<80x128xf32, #tpu.memory_space<vmem>>, vector<1x16xf32>,
        %eq3A_440 = arith.constant 6 : i32
        %eq3A_441 = vector.broadcast %eq3A_440 : i32 to vector<16xi32>
        %eq3A_442 = arith.cmpi eq, %iota3A, %eq3A_441 : vector<16xi32>
        %select_n3A_443 = arith.select %eq3A_442, %exp3A_433, %select_n3A_392 : vector<16xi1>, vector<16xf32>
        %get3A_444 = arith.index_cast %scan3A_92 : i32 to index
        %get3A_445 = arith.constant 112 : index
        %get3A_446 = tpu.vector_load %arg13[%get3A_444, %get3A_445] {strides = array<i32>} : memref<80x128xf32, #tpu.memory_space<vmem>>, vector<1x16xf32>,
        %get3A_447 = vector.shape_cast %get3A_446 : vector<1x16xf32> to vector<16xf32>
        %get3A_448 = arith.index_cast %scan3A_92 : i32 to index
        %get3A_449 = arith.constant 112 : index
        %get3A_450 = tpu.vector_load %arg14[%get3A_448, %get3A_449] {strides = array<i32>} : memref<80x128xf32, #tpu.memory_space<vmem>>, vector<1x16xf32>,
        %get3A_451 = vector.shape_cast %get3A_450 : vector<1x16xf32> to vector<16xf32>
        %add3A_452 = arith.addf %get3A_447, %get3A_451 : vector<16xf32>
        %min3A_453 = arith.constant 2.000000e+01 : f32
        %min3A_454 = vector.broadcast %min3A_453 : f32 to vector<16xf32>
        %min3A_455 = arith.minimumf %add3A_452, %min3A_454 : vector<16xf32>
        %exp3A_456 = math.exp %min3A_455 : vector<16xf32>
        %add3A_457 = arith.constant 2.000000e+00 : f32
        %add3A_458 = vector.broadcast %add3A_457 : f32 to vector<16xf32>
        %add3A_459 = arith.addf %exp3A_456, %add3A_458 : vector<16xf32>
        %mul3A_460 = arith.mulf %exp3A_456, %add3A_459 : vector<16xf32>
        %add3A_461 = arith.constant 2.000000e+00 : f32
        %add3A_462 = vector.broadcast %add3A_461 : f32 to vector<16xf32>
        %add3A_463 = arith.addf %mul3A_460, %add3A_462 : vector<16xf32>
        %div3A_464 = arith.divf %mul3A_460, %add3A_463 : vector<16xf32>
        %mul3A_465 = arith.mulf %add3A_452, %div3A_464 : vector<16xf32>
        %mul3A_466 = arith.mulf %mul3A_465, %get3A_8 : vector<16xf32>
        %broadcast_in_dim3A_467 = vector.shape_cast %xor3A_15 : vector<16xi32> to vector<16x1xi32>
        %gather3A_468 = vector.shape_cast %broadcast_in_dim3A_467 : vector<16x1xi32> to vector<16xi32>
        %gather3A_469 = tpu.dynamic_gather %mul3A_466[%gather3A_468] in [0] : vector<16xf32>, vector<16xi32> -> vector<16xf32>
        %add3A_470 = arith.addf %mul3A_466, %gather3A_469 : vector<16xf32>
        %broadcast_in_dim3A_471 = vector.shape_cast %xor3A_18 : vector<16xi32> to vector<16x1xi32>
        %gather3A_472 = vector.shape_cast %broadcast_in_dim3A_471 : vector<16x1xi32> to vector<16xi32>
        %gather3A_473 = tpu.dynamic_gather %add3A_470[%gather3A_472] in [0] : vector<16xf32>, vector<16xi32> -> vector<16xf32>
        %add3A_474 = arith.addf %add3A_470, %gather3A_473 : vector<16xf32>
        %broadcast_in_dim3A_475 = vector.shape_cast %xor3A_21 : vector<16xi32> to vector<16x1xi32>
        %gather3A_476 = vector.shape_cast %broadcast_in_dim3A_475 : vector<16x1xi32> to vector<16xi32>
        %gather3A_477 = tpu.dynamic_gather %add3A_474[%gather3A_476] in [0] : vector<16xf32>, vector<16xi32> -> vector<16xf32>
        %add3A_478 = arith.addf %add3A_474, %gather3A_477 : vector<16xf32>
        %broadcast_in_dim3A_479 = vector.shape_cast %xor3A_24 : vector<16xi32> to vector<16x1xi32>
        %gather3A_480 = vector.shape_cast %broadcast_in_dim3A_479 : vector<16x1xi32> to vector<16xi32>
        %gather3A_481 = tpu.dynamic_gather %add3A_478[%gather3A_480] in [0] : vector<16xf32>, vector<16xi32> -> vector<16xf32>
        %add3A_482 = arith.addf %add3A_478, %gather3A_481 : vector<16xf32>
        %add3A_483 = arith.addf %add3A_482, %get3A_13 : vector<16xf32>
        %exp3A_484 = math.exp %add3A_483 : vector<16xf32>
        %mul3A_485 = arith.mulf %exp3A_484, %get3A_447 : vector<16xf32>
        %swap3A_486 = arith.index_cast %scan3A_92 : i32 to index
        %swap3A_487 = arith.constant 112 : index
        %swap3A_488 = tpu.vector_load %arg13[%swap3A_486, %swap3A_487] {strides = array<i32>} : memref<80x128xf32, #tpu.memory_space<vmem>>, vector<1x16xf32>,
        %swap3A_489 = vector.shape_cast %swap3A_488 : vector<1x16xf32> to vector<16xf32>
        %swap3A_490 = vector.shape_cast %mul3A_485 : vector<16xf32> to vector<1x16xf32>
        tpu.vector_store %arg13[%swap3A_486, %swap3A_487], %swap3A_490 {strides = array<i32>} : memref<80x128xf32, #tpu.memory_space<vmem>>, vector<1x16xf32>,
        %eq3A_491 = arith.constant 7 : i32
        %eq3A_492 = vector.broadcast %eq3A_491 : i32 to vector<16xi32>
        %eq3A_493 = arith.cmpi eq, %iota3A, %eq3A_492 : vector<16xi32>
        %select_n3A_494 = arith.select %eq3A_493, %exp3A_484, %select_n3A_443 : vector<16xi1>, vector<16xf32>
        %swap3A_495 = arith.index_cast %scan3A_92 : i32 to index
        %swap3A_496 = arith.constant 0 : index
        %swap3A_497 = tpu.vector_load %arg15[%swap3A_495, %swap3A_496] {strides = array<i32>} : memref<80x16xf32, #tpu.memory_space<vmem>>, vector<1x16xf32>,
        %swap3A_498 = vector.shape_cast %swap3A_497 : vector<1x16xf32> to vector<16xf32>
        %swap3A_499 = vector.shape_cast %select_n3A_494 : vector<16xf32> to vector<1x16xf32>
        tpu.vector_store %arg15[%swap3A_495, %swap3A_496], %swap3A_499 {strides = array<i32>} : memref<80x16xf32, #tpu.memory_space<vmem>>, vector<1x16xf32>,
      }
      %scan3A_79 = arith.constant 80 : i32
      %dma_start3A_80 = arith.constant 0 : i32
      %dma_start3A_81 = arith.constant 0 : i32
      %dma_start3A_82 = tpu.memref_slice %arg17[%dma_start3A_80, %dma_start3A_81] : memref<10240x128xf32, #tpu.memory_space<vmem_shared>> -> memref<10240x128xf32, #tpu.memory_space<vmem_shared>>
      tpu.enqueue_indirect_dma source(%arg13 : memref<80x128xf32, #tpu.memory_space<vmem>>) target(%dma_start3A_82 : memref<10240x128xf32, #tpu.memory_space<vmem_shared>>) offsets(%arg12 : memref<80xi32, #tpu.memory_space<vmem>>) semaphore(%arg23 : memref<!tpu.dma_semaphore, #tpu.memory_space<semaphore_mem>>) {add = true}
      %dma_start3A_83 = arith.constant 0 : i32
      %dma_start3A_84 = arith.constant 0 : i32
      %dma_start3A_85 = tpu.memref_slice %arg18[%dma_start3A_83, %dma_start3A_84] : memref<10240x16xf32, #tpu.memory_space<vmem_shared>> -> memref<10240x16xf32, #tpu.memory_space<vmem_shared>>
      tpu.enqueue_indirect_dma source(%arg15 : memref<80x16xf32, #tpu.memory_space<vmem>>) target(%dma_start3A_85 : memref<10240x16xf32, #tpu.memory_space<vmem_shared>>) offsets(%arg12 : memref<80xi32, #tpu.memory_space<vmem>>) semaphore(%arg24 : memref<!tpu.dma_semaphore, #tpu.memory_space<semaphore_mem>>) {add = true}
      %dma_wait3A_86 = arith.constant 0 : i32
      %dma_wait3A_87 = arith.constant 0 : i32
      %dma_wait3A_88 = tpu.memref_slice %arg17[%dma_wait3A_86, %dma_wait3A_87] : memref<10240x128xf32, #tpu.memory_space<vmem_shared>> -> memref<10240x128xf32, #tpu.memory_space<vmem_shared>>
      tpu.wait_indirect_dma semaphore(%arg23 : memref<!tpu.dma_semaphore, #tpu.memory_space<semaphore_mem>>) src(%arg13 : memref<80x128xf32, #tpu.memory_space<vmem>>) dst(%dma_wait3A_88 : memref<10240x128xf32, #tpu.memory_space<vmem_shared>>)
      %dma_wait3A_89 = arith.constant 0 : i32
      %dma_wait3A_90 = arith.constant 0 : i32
      %dma_wait3A_91 = tpu.memref_slice %arg18[%dma_wait3A_89, %dma_wait3A_90] : memref<10240x16xf32, #tpu.memory_space<vmem_shared>> -> memref<10240x16xf32, #tpu.memory_space<vmem_shared>>
      tpu.wait_indirect_dma semaphore(%arg24 : memref<!tpu.dma_semaphore, #tpu.memory_space<semaphore_mem>>) src(%arg15 : memref<80x16xf32, #tpu.memory_space<vmem>>) dst(%dma_wait3A_91 : memref<10240x16xf32, #tpu.memory_space<vmem_shared>>)
    }
    %scan3A_29 = arith.constant 125 : i32
    %barrier3A_30 = arith.constant 0 : index
    tpu.barrier barrier_id(%barrier3A_30)
    %mul3A_31 = arith.constant 640 : i32
    %mul3A_32 = arith.muli %arg1, %mul3A_31 : i32
    %mul3A_33 = arith.constant 640 : i32
    %mul3A_34 = arith.muli %arg1, %mul3A_33 : i32
    "tpu.region"() ({
      %run_scoped3A = tpu.sem_alloc : memref<!tpu.dma_semaphore, #tpu.memory_space<semaphore_mem>>
      %dma_start3A = arith.constant 0 : i32
      %dma_start3A_39 = tpu.memref_slice %arg9[%arg0, %mul3A_34, %dma_start3A] : memref<2x10240x128xf32, #tpu.memory_space<hbm>> -> memref<1x640x128xf32, #tpu.memory_space<hbm>>
      %dma_start3A_40 = tpu.memref_squeeze %dma_start3A_39 : memref<1x640x128xf32, #tpu.memory_space<hbm>> -> memref<640x128xf32, #tpu.memory_space<hbm>>
      %dma_start3A_41 = arith.constant 0 : i32
      %dma_start3A_42 = tpu.memref_slice %arg17[%mul3A_32, %dma_start3A_41] : memref<10240x128xf32, #tpu.memory_space<vmem_shared>> -> memref<640x128xf32, #tpu.memory_space<vmem_shared>>
      tpu.enqueue_dma source(%dma_start3A_42 : memref<640x128xf32, #tpu.memory_space<vmem_shared>>) target(%dma_start3A_40 : memref<640x128xf32, #tpu.memory_space<hbm>>) target_semaphore(%run_scoped3A : memref<!tpu.dma_semaphore, #tpu.memory_space<semaphore_mem>>)
      %dma_wait3A = arith.constant 0 : i32
      %dma_wait3A_43 = tpu.memref_slice %arg9[%arg0, %mul3A_34, %dma_wait3A] : memref<2x10240x128xf32, #tpu.memory_space<hbm>> -> memref<1x640x128xf32, #tpu.memory_space<hbm>>
      %dma_wait3A_44 = tpu.memref_squeeze %dma_wait3A_43 : memref<1x640x128xf32, #tpu.memory_space<hbm>> -> memref<640x128xf32, #tpu.memory_space<hbm>>
      %dma_wait3A_45 = arith.constant 0 : i32
      %dma_wait3A_46 = tpu.memref_slice %arg17[%mul3A_32, %dma_wait3A_45] : memref<10240x128xf32, #tpu.memory_space<vmem_shared>> -> memref<640x128xf32, #tpu.memory_space<vmem_shared>>
      tpu.wait_dma2 semaphore(%run_scoped3A : memref<!tpu.dma_semaphore, #tpu.memory_space<semaphore_mem>>) src(%dma_wait3A_46 : memref<640x128xf32, #tpu.memory_space<vmem_shared>>) dst(%dma_wait3A_44 : memref<640x128xf32, #tpu.memory_space<hbm>>)
      tpu.yield
    }) : () -> ()
    %mul3A_35 = arith.constant 640 : i32
    %mul3A_36 = arith.muli %arg1, %mul3A_35 : i32
    %mul3A_37 = arith.constant 640 : i32
    %mul3A_38 = arith.muli %arg1, %mul3A_37 : i32
    "tpu.region"() ({
      %run_scoped3A = tpu.sem_alloc : memref<!tpu.dma_semaphore, #tpu.memory_space<semaphore_mem>>
      %dma_start3A = arith.constant 0 : i32
      %dma_start3A_39 = tpu.memref_slice %arg10[%arg0, %mul3A_38, %dma_start3A] : memref<2x10240x16xf32, #tpu.memory_space<hbm>> -> memref<1x640x16xf32, #tpu.memory_space<hbm>>
      %dma_start3A_40 = tpu.memref_squeeze %dma_start3A_39 : memref<1x640x16xf32, #tpu.memory_space<hbm>> -> memref<640x16xf32, #tpu.memory_space<hbm>>
      %dma_start3A_41 = arith.constant 0 : i32
      %dma_start3A_42 = tpu.memref_slice %arg18[%mul3A_36, %dma_start3A_41] : memref<10240x16xf32, #tpu.memory_space<vmem_shared>> -> memref<640x16xf32, #tpu.memory_space<vmem_shared>>
      tpu.enqueue_dma source(%dma_start3A_42 : memref<640x16xf32, #tpu.memory_space<vmem_shared>>) target(%dma_start3A_40 : memref<640x16xf32, #tpu.memory_space<hbm>>) target_semaphore(%run_scoped3A : memref<!tpu.dma_semaphore, #tpu.memory_space<semaphore_mem>>)
      %dma_wait3A = arith.constant 0 : i32
      %dma_wait3A_43 = tpu.memref_slice %arg10[%arg0, %mul3A_38, %dma_wait3A] : memref<2x10240x16xf32, #tpu.memory_space<hbm>> -> memref<1x640x16xf32, #tpu.memory_space<hbm>>
      %dma_wait3A_44 = tpu.memref_squeeze %dma_wait3A_43 : memref<1x640x16xf32, #tpu.memory_space<hbm>> -> memref<640x16xf32, #tpu.memory_space<hbm>>
      %dma_wait3A_45 = arith.constant 0 : i32
      %dma_wait3A_46 = tpu.memref_slice %arg18[%mul3A_36, %dma_wait3A_45] : memref<10240x16xf32, #tpu.memory_space<vmem_shared>> -> memref<640x16xf32, #tpu.memory_space<vmem_shared>>
      tpu.wait_dma2 semaphore(%run_scoped3A : memref<!tpu.dma_semaphore, #tpu.memory_space<semaphore_mem>>) src(%dma_wait3A_46 : memref<640x16xf32, #tpu.memory_space<vmem_shared>>) dst(%dma_wait3A_44 : memref<640x16xf32, #tpu.memory_space<hbm>>)
      tpu.yield
    }) : () -> ()
    return
  }
}

module attributes {stable_mosaic.version = 14 : i64} {
  func.func @_proj_body(%arg0: i32, %arg1: memref<1000x128xf32, #tpu.memory_space<vmem>>, %arg2: memref<128x128xf32, #tpu.memory_space<vmem>>, %arg3: memref<128x128xf32, #tpu.memory_space<vmem>>, %arg4: memref<1x128xf32, #tpu.memory_space<vmem>>, %arg5: memref<1x128xf32, #tpu.memory_space<vmem>>, %arg6: memref<1000x128xf32, #tpu.memory_space<vmem>>, %arg7: memref<1000x128xf32, #tpu.memory_space<vmem>>) attributes {dimension_semantics = [#tpu.dimension_semantics<arbitrary>], iteration_bounds = array<i64: 10>, scalar_prefetch = 0 : i64, scratch_operands = 0 : i64, tpu.core_type = #tpu.core_type<tc>, window_params = [{transform_indices = @transform_0, window_bounds = array<i64: 1000, 128>}, {pipeline_mode = #tpu.pipeline_mode<synchronous>, transform_indices = @transform_1, window_bounds = array<i64: 128, 128>}, {pipeline_mode = #tpu.pipeline_mode<synchronous>, transform_indices = @transform_2, window_bounds = array<i64: 128, 128>}, {pipeline_mode = #tpu.pipeline_mode<synchronous>, transform_indices = @transform_3, window_bounds = array<i64: 1, 128>}, {pipeline_mode = #tpu.pipeline_mode<synchronous>, transform_indices = @transform_4, window_bounds = array<i64: 1, 128>}, {transform_indices = @transform_5, window_bounds = array<i64: 1000, 128>}, {transform_indices = @transform_6, window_bounds = array<i64: 1000, 128>}]} {
    %get3A = arith.constant 0 : index
    %get3A_0 = arith.constant 0 : index
    %get3A_1 = vector.load %arg1[%get3A, %get3A_0] : memref<1000x128xf32, #tpu.memory_space<vmem>>, vector<1000x128xf32>
    %get3A_2 = arith.constant 0 : index
    %get3A_3 = arith.constant 0 : index
    %get3A_4 = vector.load %arg2[%get3A_2, %get3A_3] : memref<128x128xf32, #tpu.memory_space<vmem>>, vector<128x128xf32>
    %dot_general3A = arith.constant dense<0.000000e+00> : vector<1000x128xf32>
    %dot_general3A_5 = tpu.matmul %get3A_1, %get3A_4, %dot_general3A {dimension_numbers = #tpu.dot_dimension_numbers<[1], [0], [0], [1], [0, 0, 1, 1], [], []>, transpose_lhs_hint = false} : vector<1000x128xf32>, vector<128x128xf32>, vector<1000x128xf32> -> vector<1000x128xf32>
    %get3A_6 = arith.constant 0 : index
    %get3A_7 = arith.constant 0 : index
    %get3A_8 = vector.load %arg4[%get3A_6, %get3A_7] : memref<1x128xf32, #tpu.memory_space<vmem>>, vector<1x128xf32>
    %add3A = vector.broadcast %get3A_8 : vector<1x128xf32> to vector<1000x128xf32>
    %add3A_9 = arith.addf %dot_general3A_5, %add3A : vector<1000x128xf32>
    %swap3A = arith.constant 0 : index
    %swap3A_10 = arith.constant 0 : index
    %swap3A_11 = vector.load %arg6[%swap3A, %swap3A_10] : memref<1000x128xf32, #tpu.memory_space<vmem>>, vector<1000x128xf32>
    tpu.vector_store %arg6[%swap3A, %swap3A_10], %add3A_9 {strides = array<i32>} : memref<1000x128xf32, #tpu.memory_space<vmem>>, vector<1000x128xf32>,
    %get3A_12 = arith.constant 0 : index
    %get3A_13 = arith.constant 0 : index
    %get3A_14 = vector.load %arg3[%get3A_12, %get3A_13] : memref<128x128xf32, #tpu.memory_space<vmem>>, vector<128x128xf32>
    %dot_general3A_15 = arith.constant dense<0.000000e+00> : vector<1000x128xf32>
    %dot_general3A_16 = tpu.matmul %get3A_1, %get3A_14, %dot_general3A_15 {dimension_numbers = #tpu.dot_dimension_numbers<[1], [0], [0], [1], [0, 0, 1, 1], [], []>, transpose_lhs_hint = false} : vector<1000x128xf32>, vector<128x128xf32>, vector<1000x128xf32> -> vector<1000x128xf32>
    %get3A_17 = arith.constant 0 : index
    %get3A_18 = arith.constant 0 : index
    %get3A_19 = vector.load %arg5[%get3A_17, %get3A_18] : memref<1x128xf32, #tpu.memory_space<vmem>>, vector<1x128xf32>
    %add3A_20 = vector.broadcast %get3A_19 : vector<1x128xf32> to vector<1000x128xf32>
    %add3A_21 = arith.addf %dot_general3A_16, %add3A_20 : vector<1000x128xf32>
    %swap3A_22 = arith.constant 0 : index
    %swap3A_23 = arith.constant 0 : index
    %swap3A_24 = vector.load %arg7[%swap3A_22, %swap3A_23] : memref<1000x128xf32, #tpu.memory_space<vmem>>, vector<1000x128xf32>
    tpu.vector_store %arg7[%swap3A_22, %swap3A_23], %add3A_21 {strides = array<i32>} : memref<1000x128xf32, #tpu.memory_space<vmem>>, vector<1000x128xf32>,
    return
  }
  func.func @transform_0(%arg0: i32) -> (i32, i32) {
    %c0_i32 = arith.constant 0 : i32
    %c0_i32_0 = arith.constant 0 : i32
    return %arg0, %c0_i32 : i32, i32
  }
  func.func @transform_1(%arg0: i32) -> (i32, i32) {
    %c0_i32 = arith.constant 0 : i32
    %c0_i32_0 = arith.constant 0 : i32
    %c0_i32_1 = arith.constant 0 : i32
    return %c0_i32, %c0_i32_0 : i32, i32
  }
  func.func @transform_2(%arg0: i32) -> (i32, i32) {
    %c0_i32 = arith.constant 0 : i32
    %c0_i32_0 = arith.constant 0 : i32
    %c0_i32_1 = arith.constant 0 : i32
    return %c0_i32, %c0_i32_0 : i32, i32
  }
  func.func @transform_3(%arg0: i32) -> (i32, i32) {
    %c0_i32 = arith.constant 0 : i32
    %c0_i32_0 = arith.constant 0 : i32
    %c0_i32_1 = arith.constant 0 : i32
    return %c0_i32, %c0_i32_0 : i32, i32
  }
  func.func @transform_4(%arg0: i32) -> (i32, i32) {
    %c0_i32 = arith.constant 0 : i32
    %c0_i32_0 = arith.constant 0 : i32
    %c0_i32_1 = arith.constant 0 : i32
    return %c0_i32, %c0_i32_0 : i32, i32
  }
  func.func @transform_5(%arg0: i32) -> (i32, i32) {
    %c0_i32 = arith.constant 0 : i32
    %c0_i32_0 = arith.constant 0 : i32
    return %arg0, %c0_i32 : i32, i32
  }
  func.func @transform_6(%arg0: i32) -> (i32, i32) {
    %c0_i32 = arith.constant 0 : i32
    %c0_i32_0 = arith.constant 0 : i32
    return %arg0, %c0_i32 : i32, i32
  }
}

module attributes {stable_mosaic.version = 14 : i64} {
  func.func @_merge_body(%arg0: i32, %arg1: memref<2x1000x128xf32, #tpu.memory_space<vmem>>, %arg2: memref<2x1000x16xf32, #tpu.memory_space<vmem>>, %arg3: memref<1000x128xf32, #tpu.memory_space<vmem>>) attributes {dimension_semantics = [#tpu.dimension_semantics<arbitrary>], iteration_bounds = array<i64: 10>, scalar_prefetch = 0 : i64, scratch_operands = 0 : i64, tpu.core_type = #tpu.core_type<tc>, window_params = [{transform_indices = @transform_0, window_bounds = array<i64: 2, 1000, 128>}, {transform_indices = @transform_1, window_bounds = array<i64: 2, 1000, 16>}, {transform_indices = @transform_2, window_bounds = array<i64: 1000, 128>}]} {
    %get3A = arith.constant 0 : index
    %get3A_0 = arith.constant 0 : index
    %get3A_1 = arith.constant 0 : index
    %get3A_2 = vector.load %arg1[%get3A, %get3A_0, %get3A_1] : memref<2x1000x128xf32, #tpu.memory_space<vmem>>, vector<1x1000x128xf32>
    %get3A_3 = vector.shape_cast %get3A_2 : vector<1x1000x128xf32> to vector<1000x128xf32>
    %get3A_4 = arith.constant 1 : index
    %get3A_5 = arith.constant 0 : index
    %get3A_6 = arith.constant 0 : index
    %get3A_7 = vector.load %arg1[%get3A_4, %get3A_5, %get3A_6] : memref<2x1000x128xf32, #tpu.memory_space<vmem>>, vector<1x1000x128xf32>
    %get3A_8 = vector.shape_cast %get3A_7 : vector<1x1000x128xf32> to vector<1000x128xf32>
    %add3A = arith.addf %get3A_3, %get3A_8 : vector<1000x128xf32>
    %get3A_9 = arith.constant 0 : index
    %get3A_10 = arith.constant 0 : index
    %get3A_11 = arith.constant 0 : index
    %get3A_12 = vector.load %arg2[%get3A_9, %get3A_10, %get3A_11] : memref<2x1000x16xf32, #tpu.memory_space<vmem>>, vector<1x1000x16xf32>
    %get3A_13 = vector.shape_cast %get3A_12 : vector<1x1000x16xf32> to vector<1000x16xf32>
    %get3A_14 = arith.constant 1 : index
    %get3A_15 = arith.constant 0 : index
    %get3A_16 = arith.constant 0 : index
    %get3A_17 = vector.load %arg2[%get3A_14, %get3A_15, %get3A_16] : memref<2x1000x16xf32, #tpu.memory_space<vmem>>, vector<1x1000x16xf32>
    %get3A_18 = vector.shape_cast %get3A_17 : vector<1x1000x16xf32> to vector<1000x16xf32>
    %add3A_19 = arith.addf %get3A_13, %get3A_18 : vector<1000x16xf32>
    %iota3A = tpu.iota {dimensions = array<i32: 0>} : vector<16x128xi32>
    %iota3A_20 = tpu.iota {dimensions = array<i32: 1>} : vector<16x128xi32>
    %jit3A = arith.constant 16 : i32
    %div3A = vector.broadcast %jit3A : i32 to vector<16x128xi32>
    %div3A_21 = arith.divsi %iota3A_20, %div3A : vector<16x128xi32>
    %sign3A = arith.constant 0 : i32
    %sign3A_22 = vector.broadcast %sign3A : i32 to vector<16x128xi32>
    %sign3A_23 = arith.cmpi sgt, %iota3A_20, %sign3A_22 : vector<16x128xi32>
    %sign3A_24 = arith.extui %sign3A_23 : vector<16x128xi1> to vector<16x128xi32>
    %sign3A_25 = arith.constant 0 : i32
    %sign3A_26 = vector.broadcast %sign3A_25 : i32 to vector<16x128xi32>
    %sign3A_27 = arith.cmpi slt, %iota3A_20, %sign3A_26 : vector<16x128xi32>
    %sign3A_28 = arith.extui %sign3A_27 : vector<16x128xi1> to vector<16x128xi32>
    %sign3A_29 = arith.subi %sign3A_24, %sign3A_28 : vector<16x128xi32>
    %sign3A_30 = arith.constant 0 : i32
    %sign3A_31 = arith.cmpi sgt, %jit3A, %sign3A_30 : i32
    %sign3A_32 = arith.extui %sign3A_31 : i1 to i32
    %sign3A_33 = arith.constant 0 : i32
    %sign3A_34 = arith.cmpi slt, %jit3A, %sign3A_33 : i32
    %sign3A_35 = arith.extui %sign3A_34 : i1 to i32
    %sign3A_36 = arith.subi %sign3A_32, %sign3A_35 : i32
    %ne3A = vector.broadcast %sign3A_36 : i32 to vector<16x128xi32>
    %ne3A_37 = arith.cmpi ne, %sign3A_29, %ne3A : vector<16x128xi32>
    %rem3A = vector.broadcast %jit3A : i32 to vector<16x128xi32>
    %rem3A_38 = arith.remsi %iota3A_20, %rem3A : vector<16x128xi32>
    %ne3A_39 = arith.constant 0 : i32
    %ne3A_40 = vector.broadcast %ne3A_39 : i32 to vector<16x128xi32>
    %ne3A_41 = arith.cmpi ne, %rem3A_38, %ne3A_40 : vector<16x128xi32>
    %and3A = arith.andi %ne3A_37, %ne3A_41 : vector<16x128xi1>
    %sub3A = arith.constant 1 : i32
    %sub3A_42 = vector.broadcast %sub3A : i32 to vector<16x128xi32>
    %sub3A_43 = arith.subi %div3A_21, %sub3A_42 : vector<16x128xi32>
    %select_n3A = arith.select %and3A, %sub3A_43, %div3A_21 : vector<16x128xi1>, vector<16x128xi32>
    %eq3A = arith.cmpi eq, %iota3A, %select_n3A : vector<16x128xi32>
    %convert_element_type3A = arith.extui %eq3A : vector<16x128xi1> to vector<16x128xi32>
    %convert_element_type3A_44 = arith.sitofp %convert_element_type3A : vector<16x128xi32> to vector<16x128xf32>
    %dot_general3A = arith.constant dense<0.000000e+00> : vector<1000x128xf32>
    %dot_general3A_45 = tpu.matmul %add3A_19, %convert_element_type3A_44, %dot_general3A {dimension_numbers = #tpu.dot_dimension_numbers<[1], [0], [0], [1], [0, 0, 1, 1], [], []>, transpose_lhs_hint = false} : vector<1000x16xf32>, vector<16x128xf32>, vector<1000x128xf32> -> vector<1000x128xf32>
    %gt3A = arith.constant 0.000000e+00 : f32
    %gt3A_46 = vector.broadcast %gt3A : f32 to vector<1000x128xf32>
    %gt3A_47 = arith.cmpf ogt, %dot_general3A_45, %gt3A_46 : vector<1000x128xf32>
    %div3A_48 = arith.divf %add3A, %dot_general3A_45 : vector<1000x128xf32>
    %jit3A_49 = arith.constant 0.000000e+00 : f32
    %broadcast_in_dim3A = vector.broadcast %jit3A_49 : f32 to vector<1000x128xf32>
    %select_n3A_50 = arith.select %gt3A_47, %div3A_48, %broadcast_in_dim3A : vector<1000x128xi1>, vector<1000x128xf32>
    %swap3A = arith.constant 0 : index
    %swap3A_51 = arith.constant 0 : index
    %swap3A_52 = vector.load %arg3[%swap3A, %swap3A_51] : memref<1000x128xf32, #tpu.memory_space<vmem>>, vector<1000x128xf32>
    tpu.vector_store %arg3[%swap3A, %swap3A_51], %select_n3A_50 {strides = array<i32>} : memref<1000x128xf32, #tpu.memory_space<vmem>>, vector<1000x128xf32>,
    return
  }
  func.func @transform_0(%arg0: i32) -> (i32, i32, i32) {
    %c0_i32 = arith.constant 0 : i32
    %c0_i32_0 = arith.constant 0 : i32
    %c0_i32_1 = arith.constant 0 : i32
    return %c0_i32, %arg0, %c0_i32_0 : i32, i32, i32
  }
  func.func @transform_1(%arg0: i32) -> (i32, i32, i32) {
    %c0_i32 = arith.constant 0 : i32
    %c0_i32_0 = arith.constant 0 : i32
    %c0_i32_1 = arith.constant 0 : i32
    return %c0_i32, %arg0, %c0_i32_0 : i32, i32, i32
  }
  func.func @transform_2(%arg0: i32) -> (i32, i32) {
    %c0_i32 = arith.constant 0 : i32
    %c0_i32_0 = arith.constant 0 : i32
    return %arg0, %c0_i32 : i32, i32
  }
}

</mosaic_0001>

<sc_bundles>
// kernel: kernel.5.cloned.1.call-start
scs
__scs_entry_jumppad:
0x0: {  	(pc) =	sbr.rel $0x88, $3  }
0x1: {  	(tag) =	ssettag $0x0;
	lr =	simm.s32 $0x1  }
0x2: {  	[smem:$0x3F99] =	sst lr;
	_ =	strace $0xD0000000  }
0x3: {  	_ = 	snop  }
0x4: {  	_ = 	snop  }
0x5: {  	_ = 	snop  }
0x6: {  	_ = 	snop  }
0x7: {  	_ = 	snop  }
__scs_overlays_trampoline_lowered:
0x8: {  	[smem:$0x3FA8] =	sst s0  }
0x9: {  	[smem:$0x3FA9] =	sst s1  }
0xa: {  	[smem:$0x3FAA] =	sst s2  }
0xb: {  	[smem:$0x3FAB] =	sst s3  }
0xc: {  	[smem:$0x3FAC] =	sst s4  }
0xd: {  	[smem:$0x3FAD] =	sst s5  }
0xe: {  	[smem:$0x3FAE] =	sst s6  }
0xf: {  	[smem:$0x3FAF] =	sst s7  }
0x10: {  	[smem:$0x3FB0] =	sst s8  }
0x11: {  	[smem:$0x3FB1] =	sst s9;
	s0 =	simm.s32 @!p0 $0x0  }
0x12: {  	s1 =	sld [smem:$0x3F97];
	s0 =	simm.s32 @p0 $0x1  }
0x13: {  	[smem:$0x3FB2] =	sst s0;
	s0 =	simm.s32 @!p1 $0x0  }
0x14: {  	s2 =	sld [smem:$0x3F96];
	s0 =	simm.s32 @p1 $0x1  }
0x15: {  	[smem:$0x3FB3] =	sst s0;
	s0 =	simm.s32 @!p2 $0x0  }
0x16: {  	s3 =	sld [smem:$0x3FDB];
	s0 =	simm.s32 @p2 $0x1  }
0x17: {  	s4 =	simm.s32 $0x1BF5;
	[smem:$0x3FB5] =	sst s0  }
0x18: {  	s0 =	sld [smem:$0x3F98];
	_ =	swait.ge [sflag:s4], $0x0  }
0x19: {  	s7 =	sld [smem:$0x3F99]  }
0x1a: {  	s8 =	sadd.s32 $0xFFFFE003, lr  }
0x1b: {  	s9 =	sadd.s32 $0xFFFFFEF7, lr;
	s5 =	simm.s32 $0xFFFFFFFF;
	p2 =	slt.u32 s8, $0xFFFFF086  }
0x1c: {  	p1 =	slt.u32 s9, $0xF7A;
	s5 =	simm.s32 @!p2 $0x0  }
0x1d: {  	s5 =	simm.s32 @p1 $0x1;
	p0 =	seq.s32 s7, s2  }
0x1e: {  	s7 =	smul.u32 @!p0 $0xF7A, s2;
	p2 =	seq.s32 @!p0 s5, $0x0  }
0x1f: {  	s9 =	smul.u32 $0xF7A, s1;
	s8 =	simm.s32 @!p0 $0x1BF5;
	p2 =	por !p2, p0  }
0x20: {  	[sflag:s8] =	ssyncset.s32 @!p0 $0xFFFFF086;
	s6 =	sadd.s32 @!p0 s3, s7;
	s7 =	simm.s32 @!p0 $0x108  }
0x21: {  	s3 =	sadd.s32 s3, s9;
	s6 =	sadd.s32 @!p0 $0x88, s6;
	s7 =	simm.s32 @p2 $0x1082  }
0x22: {  	[simem:s7], [sflag:s8] =	dma.local @!p0 [hbm:s6], $0xF7A  }
0x23: {  	s9 =	sor.u32 $0xD0000000, s2;
	s6 =	simm.s32 $0x108;
	_ =	swait.ge @!p0 [sflag:s8], $0x0  }
0x24: {  	s3 =	sadd.s32 $0x88, s3;
	s6 =	simm.s32 @!p1 $0x1082;
	[sflag:s4] =	ssyncset.s32 $0xFFFFF086  }
0x25: {  	[simem:s6], [sflag:s4] =	dma.local [hbm:s3], $0xF7A  }
0x26: {  	[smem:$0x3F99] =	sst s1;
	(tag) =	ssettag s2;
	_ =	strace s9  }
0x27: {  	s1 =	sld [smem:$0x3FA9]  }
0x28: {  	s2 =	sld [smem:$0x3FAA]  }
0x29: {  	s4 =	sld [smem:$0x3FAC]  }
0x2a: {  	p0 =	seq.s32 s5, $0x0;
	s5 =	sld [smem:$0x3FAD]  }
0x2b: {  	s6 =	sld [smem:$0x3FAE]  }
0x2c: {  	s7 =	sld [smem:$0x3FAF]  }
0x2d: {  	s3 =	simm.s32 $0x108;
	s8 =	sld [smem:$0x3FB0]  }
0x2e: {  	s3 =	simm.s32 @!p0 $0x1082;
	s9 =	sld [smem:$0x3FB1]  }
0x2f: {  	lr =	sadd.s32 s0, s3;
	s0 =	sld [smem:$0x3FA8]  }
0x30: {  	s3 =	sld [smem:$0x3FAB]  }
0x31: {  	[smem:$0x3FB4] =	sst s10  }
0x32: {  	s10 =	sld [smem:$0x3FB2];
	_ =	sdelay $0x3  }
0x33: {  	p0 =	seq.s32 s10, $0x1;
	s10 =	sld [smem:$0x3FB4];
	_ =	sdelay $0x3  }
0x34: {  	[smem:$0x3FB4] =	sst s10  }
0x35: {  	s10 =	sld [smem:$0x3FB3];
	_ =	sdelay $0x3  }
0x36: {  	p1 =	seq.s32 s10, $0x1;
	s10 =	sld [smem:$0x3FB4];
	_ =	sdelay $0x3  }
0x37: {  	[smem:$0x3FB4] =	sst s10  }
0x38: {  	s10 =	sld [smem:$0x3FB5]  }
0x39: {  	_ = 	snop;
	(pc) =	sbr.ind lr, $3  }
0x3a: {  	_ = 	snop  }
0x3b: {  	_ = 	snop  }
0x3c: {  	p2 =	seq.s32 s10, $0x1;
	s10 =	sld [smem:$0x3FB4]  }
0x3d: {  	_ =	shalt  }
0x3e: {  	_ =	shalt  }
0x3f: {  	_ =	shalt  }
0x40: {  	_ =	shalt  }
0x41: {  	_ =	shalt  }
0x42: {  	_ =	shalt  }
0x43: {  	_ =	shalt  }
0x44: {  	_ =	shalt  }
0x45: {  	_ =	shalt  }
0x46: {  	_ =	shalt  }
0x47: {  	_ =	shalt  }
0x48: {  	_ =	shalt  }
0x49: {  	_ =	shalt  }
0x4a: {  	_ =	shalt  }
0x4b: {  	_ =	shalt  }
0x4c: {  	_ =	shalt  }
0x4d: {  	_ =	shalt  }
0x4e: {  	_ =	shalt  }
0x4f: {  	_ =	shalt  }
0x50: {  	_ =	shalt  }
0x51: {  	_ =	shalt  }
0x52: {  	_ =	shalt  }
0x53: {  	_ =	shalt  }
0x54: {  	_ =	shalt  }
0x55: {  	_ =	shalt  }
0x56: {  	_ =	shalt  }
0x57: {  	_ =	shalt  }
0x58: {  	_ =	shalt  }
0x59: {  	_ =	shalt  }
0x5a: {  	_ =	shalt  }
0x5b: {  	_ =	shalt  }
0x5c: {  	_ =	shalt  }
0x5d: {  	_ =	shalt  }
0x5e: {  	_ =	shalt  }
0x5f: {  	_ =	shalt  }
0x60: {  	_ =	shalt  }
0x61: {  	_ =	shalt  }
0x62: {  	_ =	shalt  }
0x63: {  	_ =	shalt  }
0x64: {  	_ =	shalt  }
0x65: {  	_ =	shalt  }
0x66: {  	_ =	shalt  }
0x67: {  	_ =	shalt  }
0x68: {  	_ =	shalt  }
0x69: {  	_ =	shalt  }
0x6a: {  	_ =	shalt  }
0x6b: {  	_ =	shalt  }
0x6c: {  	_ =	shalt  }
0x6d: {  	_ =	shalt  }
0x6e: {  	_ =	shalt  }
0x6f: {  	_ =	shalt  }
0x70: {  	_ =	shalt  }
0x71: {  	_ =	shalt  }
0x72: {  	_ =	shalt  }
0x73: {  	_ =	shalt  }
0x74: {  	_ =	shalt  }
0x75: {  	_ =	shalt  }
0x76: {  	_ =	shalt  }
0x77: {  	_ =	shalt  }
0x78: {  	_ =	shalt  }
0x79: {  	_ =	shalt  }
0x7a: {  	_ =	shalt  }
0x7b: {  	_ =	shalt  }
0x7c: {  	_ =	shalt  }
0x7d: {  	_ =	shalt  }
0x7e: {  	_ =	shalt  }
0x7f: {  	_ =	shalt  }
0x80: {  	_ =	shalt  }
0x81: {  	_ =	shalt  }
0x82: {  	_ =	shalt  }
0x83: {  	_ =	shalt  }
0x84: {  	_ =	shalt  }
0x85: {  	_ =	shalt  }
0x86: {  	_ =	shalt  }
0x87: {  	_ =	shalt  }
.Lfunc_end0:
.L_simem_size_0:
called_computation_lowered:
.L_overlay_start_0:
0x88: {  	s2 =	sld [smem:$0x3FD9]  }
0x89: {  	s3 =	sld [smem:$0x3FFE];
	_ =	sdelay $0x1  }
0x8a: {  	s1 =	srdreg.scid  }
0x8b: {  	s0 =	sand.u32 $0x1, s1  }
0x8c: {  	s17 =	sshll.u32 s0, $0xA;
	s2 =	sadd.s32 s3, s2  }
0x8d: {  	s2 =	sadd.s32 s2, s17  }
0x8e: {  	[smem:$0x3FC0] =	sst s2  }
0x8f: {  	_ = 	snop  }
0x90: {  	s2 =	sld [smem:$0x3FD0];
	(tm) =	ssettm $0x1  }
0x91: {  	s18 =	sld [smem:$0x3FFB];
	_ =	sdelay $0x3  }
0x92: {  	_ =	strace s18  }
0x93: {  	s3 =	sld [smem:$0x3FFC];
	_ =	sdelay $0x3  }
0x94: {  	_ =	strace s3  }
0x95: {  	s3 =	sld [smem:$0x3FFD];
	_ =	sdelay $0x3  }
0x96: {  	_ =	strace s3  }
0x97: {  	_ =	strace $0x8FFFFFFF  }
0x98: {  	s19 =	sld [smem:$0x3FDB];
	_ =	sdelay $0x1  }
0x99: {  	s4 =	simm.s32 $_scs_section_size  }
0x9a: {  	s5 =	simm.s32 $_size__tile_overlayer_lowered;
	s6 =	simm.s32 $_tile_overlayer_lowered  }
0x9b: {  	s22 =	simm.s32 $0x1BFF;
	s21 =	sshll.u32 s6, $0x1;
	s3 =	sadd.s32 s4, s19  }
0x9c: {  	s7 =	simm.s32 $0x0;
	s20 =	sshll.u32 s5, $0x1;
	s5 =	sadd.s32 s21, s3  }
0x9d: {  	[timem:s7], [sflag:s22] =	dma.local [hbm:s5], s20  }
0x9e: {  	_ =	swait.ge [sflag:s22], s20  }
0x9f: {  	s4 =	ssub.s32 $0x0, s20;
	[sflag:s22] =	ssyncset.done $0x0  }
0xa0: {  	[sflag:s22] =	ssyncadd.s32 s4;
	_ =	sdelay $0x1  }
0xa1: {  	s23 =	simm.s32 $0x1B8B  }
0xa2: {  	_ =	swait.ge [sflag:s23], $0x1  }
0xa3: {  	[sflag:s23] =	ssyncset.done $0x0  }
0xa4: {  	s25 =	simm.s32 $0x1B8E;
	s24 =	sld [smem:$0x3FFE];
	[sflag:s23] =	ssyncadd.s32 $0xFFFFFFFF  }
0xa5: {  	s26 =	simm.s32 $execute0_lowered;
	[smem:$0x3FD2] =	sst s25  }
0xa6: {  	s5 =	sshll.u32 s26, $0x1;
	_ =	strace $0x80000046;
	[dreg:$0x1] =	wrdreg $0xFFFFFFFF  }
0xa7: {  	s28 =	simm.s32 $_size_execute0_lowered;
	s3 =	sadd.s32 s3, s5;
	[dreg:$0x0] =	wrdreg $0x0  }
0xa8: {  	s5 =	sshll.u32 s28, $0x1;
	[dreg:$0x2] =	wrdreg s3  }
0xa9: {  	[dreg:$0x3] =	wrdreg s5  }
0xaa: {  	[dreg:$0x4] =	wrdreg $0xC0  }
0xab: {  	_ =	task [dreg:s7], $0x5FFFF  }
0xac: {  	[dreg:$0x1] =	wrdreg $0xFFFFFFFF  }
0xad: {  	[dreg:$0x0] =	wrdreg $0x60  }
0xae: {  	[dreg:$0x2] =	wrdreg s2  }
0xaf: {  	[dreg:$0x3] =	wrdreg s24  }
0xb0: {  	[dreg:$0x4] =	wrdreg $0x55C00  }
0xb1: {  	[dreg:$0x5] =	wrdreg $0x195C00  }
0xb2: {  	[dreg:$0x6] =	wrdreg $0x9  }
0xb3: {  	_ =	task.clear_ibuf [dreg:s7], $0x7FFFF;
	_ =	strace $0x90000046  }
0xb4: {  	s29 =	simm.s32 $0x9;
	_ =	strace $0x80000048  }
0xb5: {  	_ =	swait.ge [sflag:s29], $0x1  }
0xb6: {  	[sflag:s29] =	ssyncadd.s32 $0xFFFFFFFF  }
0xb7: {  	_ =	strace $0x90000048  }
0xb8: {  	_ =	sfence  }
0xb9: {  	s30 =	sld [smem:$0x0];
	_ =	sdelay $0x2  }
0xba: {  	s31 =	sshll.u32 s1, $0xD;
	s1 =	sshrl.u32 s1, $0x2  }
0xbb: {  	s3 =	sand.u32 $0x4000, s31;
	s1 =	sadd.s32 s1, s30  }
0xbc: {  	s0 =	sor.u32 s3, s0;
	s1 =	sshll.u32 s1, $0x11  }
0xbd: {  	s0 =	sor.u32 s1, s0  }
0xbe: {  	s0 =	sadd.s32 $0x8F2B, s0  }
0xbf: {  	[sflag:s0] =	ssyncadd.remote.s32 $0x1  }
0xc0: {  	_ =	sfence.sel $0xFFFF  }
0xc1: {  	[dreg:$0x0] =	wrdreg $0xFFFFFFFF;
	(pc) =	sbr.abs _section_cstart, $3  }
0xc2: {  	[dreg:$0x1] =	wrdreg $0xFFFFFFFF  }
0xc3: {  	_ =	task.clear_ibuf [dreg:s7], $0x2FFFF;
	_ =	strace $0x9FFFFFFF  }
0xc4: {  	(tm) =	ssettm $0x7FFFFFFF  }
0xc5: {  	_ =	shalt  }
tec
execute0_lowered:
.L_overlay_start_1:
0x0: {  	(tag) =	ssettag $0x1  }
0x1: {  	s1 =	rddreg [dreg:$0x0]  }
0x2: {  	s0 =	rddreg [dreg:$0x1]  }
0x3: {  	s2 =	rddreg [dreg:$0x2]  }
0x4: {  	s4 =	rddreg [dreg:$0x3];
	s5 =	simm.s32 $0x0  }
0x5: {  	s3 =	srdreg.scid;
	s14 =	stileid.u32;
	s18 =	simm.s32 $0x7  }
0x6: {  	v0 =	vimm.s32 $0x76543210;
	v1 =	vimm.s32 $0xFEDCBA98;
	s28 =	simm.s32 $0x4;
	s29 =	simm.s32 $0x50A0;
	s30 =	simm.s32 $0x5  }
0x7: {  	v2 =	vimm.s32 $0xBA98FEDC;
	v3 =	vimm.s32 $0x32107654;
	s31 =	simm.s32 $0x6;
	[smem:$0x7FF] =	sst s5;
	s3 =	sand.u32 $0x1, s3  }
0x8: {  	v4 =	vimm.s32 $0xDCFE98BA;
	s20 =	smul.u32 $0x14000, s14;
	s6 =	sadd.s32 $0x14800, s0;
	s7 =	sadd.s32 $0xAA00, s0  }
0x9: {  	v5 =	vimm.s32 $0x54761032;
	s10 =	smul.u32 $0x2800, s14;
	s8 =	sadd.s32 $0xC00, s0;
	s11 =	sadd.s32 $0xA00, s0  }
0xa: {  	v6 =	vimm.s32 $0xEFCDAB89;
	v7 =	vimm.s32 $0x67452301;
	s12 =	sadd.s32 $0x3C000, s0;
	s22 =	sadd.s32 $0x3BA00, s0;
	s25 =	sshll.u32 s14, $0x1  }
0xb: {  	vm0 =	vmmov $0x1;
	vm1 =	vcmask $0x320;
	_ =	strace $0x80000047;
	s9 =	smul.u32 $0x140000, s3;
	[dreg:$0x5] =	wrdreg s11  }
0xc: {  	vm2 =	vcmask $0x720;
	vm3 =	vcmask $0xB20;
	vm4 =	vcmask $0xF20;
	s26 =	sshll.u32 s14, $0x6;
	s21 =	smul.u32 $0x28000, s3;
	[dreg:$0x6] =	wrdreg s12  }
0xd: {  	v0 =	vunpack.c.l.s4.s8 v0;
	v1 =	vunpack.c.l.s4.s8 v1;
	v2 =	vunpack.c.l.s4.s8 v2;
	[dreg:$0x7] =	wrdreg s22;
	s23 =	ssub.s32 $0x2, s3;
	s3 =	sor.u32 s3, s25  }
0xe: {  	v3 =	vunpack.c.l.s4.s8 v3;
	v4 =	vunpack.c.l.s4.s8 v4;
	v5 =	vunpack.c.l.s4.s8 v5;
	s12 =	sor.u32 $0x1C07, s26;
	s22 =	simm.s32 $0x1;
	s25 =	simm.s32 $0x28A0  }
0xf: {  	v6 =	vunpack.c.l.s4.s8 v6;
	v7 =	vunpack.c.l.s4.s8 v7;
	s26 =	simm.s32 $0x3;
	s13 =	sshrl.u32 s23, $0x1;
	v2 =	vunpack.c.0.s8.s32 v2;
	s5 =	sadd.s32 s20, s2  }
0x10: {  	v3 =	vunpack.c.0.s8.s32 v3;
	v4 =	vunpack.c.0.s8.s32 v4;
	v5 =	vunpack.c.0.s8.s32 v5;
	s9 =	sadd.s32 s20, s9;
	s11 =	sadd.s32 s10, s21;
	s24 =	ssub.s32 s23, s13  }
0x11: {  	v1 =	vunpack.c.0.s8.s32 v1;
	v6 =	vunpack.c.0.s8.s32 v6;
	v7 =	vunpack.c.0.s8.s32 v7;
	s10 =	sadd.s32 s10, s4;
	s13 =	smul.u32 $0x2710, s3;
	s17 =	sshrl.u32 s5, $0x3  }
0x12: {  	vm5 =	vcmask $0x1320;
	v0 =	vunpack.c.0.s8.s32 v0;
	s21 =	simm.s32 $0x50;
	s23 =	simm.s32 $0xA0;
	s9 =	sshrl.u32 s9, $0x3;
	v2 =	vcombine.low v3, v2  }
0x13: {  	s11 =	sshrl.u32 s11, $0x3;
	v3 =	vcombine.low v5, v4;
	s16 =	smax.u32 s24, $0x1;
	v4 =	vcombine.low v7, v6;
	s19 =	sshrl.u32 s10, $0x3;
	v1 =	vand.u32 $0xF, v1  }
0x14: {  	vm6 =	vcmask $0x1720;
	vm7 =	vcmask $0x1B20;
	s24 =	simm.s32 $0x2;
	s9 =	sadd.s32 s9, s0;
	s0 =	sadd.s32 s11, s0;
	v0 =	vcombine.low v1, v0  }
0x15: {  	s14 =	sadd.s32 $0x48800, s9;
	s15 =	sadd.s32 $0x3E800, s0;
	v1 =	vand.u32 $0xF, v2;
	v2 =	vand.u32 $0xF, v3;
	v3 =	vand.u32 $0xF, v4;
	s0 =	simm.s32 $0x0  }
.LBB2_1:
0x16: {  	s3 =	rddreg [dreg:$0x6]  }
0x17: {  	[spmem:s17], [sflag:s12] =	dma.local [hbm:s3], $0x2800  }
0x18: {  	_ =	swait.ge [sflag:s18], $0x2800  }
0x19: {  	[sflag:s18] =	ssyncset.done $0x0  }
0x1a: {  	s11 =	rddreg [dreg:$0x7];
	[sflag:s18] =	ssyncadd.s32 $0xFFFFD800  }
0x1b: {  	[spmem:s19], [sflag:s12] =	dma.local [hbm:s11], $0x500  }
0x1c: {  	_ =	swait.ge [sflag:s18], $0x500  }
0x1d: {  	s20 =	simm.s32 $0x0;
	[sflag:s18] =	ssyncset.done $0x0  }
0x1e: {  	s9 =	simm.s32 $0x55A0;
	s5 =	rddreg [dreg:$0x5];
	[sflag:s18] =	ssyncadd.s32 $0xFFFFFB00  }
0x1f: {  	[tilespmem:s9], [sflag:$0x7] =	stream.linear.gather [hbm4b:s5+s20], $0x20, $0x38;
	[tilespmem:$0x1BDC0] =	vst v63  }
0x20: {  	_ =	swait.ge [sflag:s18], $0x20  }
0x21: {  	[sflag:s18] =	ssyncset.done $0x0  }
0x22: {  	[sflag:s18] =	ssyncadd.s32 $0xFFFFFFE0  }
0x23: {  	[bflag:$0x0] =	sbarrier.arrive $0xFFFF  }
0x24: {  	v5 =	vld [tilespmem:$0x55B0];
	_ =	sdelay $0x1  }
0x25: {  	s3 =	simm.s32 $0x0;
	v4 =	vld [tilespmem:$0x55A0]  }
.LBB2_2:
0x26: {  	s5 =	smul.u32 $0x50, s3;
	_ =	sdelay $0x1  }
0x27: {  	s5 =	sadd.s32 s13, s5  }
0x28: {  	s5 =	sshrl.u32 s5, $0x3  }
0x29: {  	s10 =	simm.s32 $0x0;
	s9 =	sadd.s32 s7, s5  }
0x2a: {  	[tilespmem:s10], [sflag:$0x1] =	stream.linear.gather [hbm4b:s9+s10], $0x50, $0x38;
	[tilespmem:$0x1BDC0] =	vst v63  }
0x2b: {  	s5 =	sadd.s32 s8, s5  }
0x2c: {  	[tilespmem:s21], [sflag:$0x2] =	stream.linear.gather [hbm4b:s5+s10], $0x50, $0x38;
	[tilespmem:$0x1BDC0] =	vst v63  }
0x2d: {  	_ =	swait.ge [sflag:s22], $0x50  }
0x2e: {  	[sflag:s22] =	ssyncset.done $0x0  }
0x2f: {  	[sflag:s22] =	ssyncadd.s32 $0xFFFFFFB0  }
0x30: {  	[tilespmem:s23], [sflag:$0x3] =	stream.indirect.gather [hbm4b:s1+s21], $0x80, s10, s21, $0xb8;
	[tilespmem:$0x1BDC0] =	vst v63  }
0x31: {  	_ =	swait.ge [sflag:s24], $0x50  }
0x32: {  	[sflag:s24] =	ssyncset.done $0x0  }
0x33: {  	[sflag:s24] =	ssyncadd.s32 $0xFFFFFFB0  }
0x34: {  	[tilespmem:s25], [sflag:$0x4] =	stream.indirect.gather [hbm4b:s6+s21], $0x80, s21, s21, $0xb8;
	[tilespmem:$0x1BDC0] =	vst v63  }
0x35: {  	_ =	swait.ge [sflag:s26], $0x2800  }
0x36: {  	[sflag:s26] =	ssyncset.done $0x0  }
0x37: {  	[sflag:s26] =	ssyncadd.s32 $0xFFFFD800  }
0x38: {  	_ =	swait.ge [sflag:s28], $0x2800  }
0x39: {  	[sflag:s28] =	ssyncset.done $0x0  }
0x3a: {  	s5 =	simm.s32 $0x0;
	[sflag:s28] =	ssyncadd.s32 $0xFFFFD800  }
0x3b: {  	v6 =	vld [tilespmem:s5+$0x100]  }
0x3c: {  	v10 =	vld [tilespmem:s5+$0x2900]  }
0x3d: {  	v8 =	vld [tilespmem:s5+$0xD0]  }
0x3e: {  	v7 =	vld [tilespmem:s5+$0xF0]  }
0x3f: {  	v9 =	vld [tilespmem:s5+$0xC0]  }
0x40: {  	v12 =	vld [tilespmem:s5+$0x28D0]  }
0x41: {  	v13 =	vld [tilespmem:s5+$0x28F0]  }
0x42: {  	v11 =	vld [tilespmem:s5+$0xA0]  }
0x43: {  	v14 =	vld [tilespmem:s5+$0x28A0]  }
0x44: {  	v15 =	vld [tilespmem:s5+$0x28C0]  }
0x45: {  	v16 =	vld [tilespmem:s5+$0x28B0];
	v17 =	vadd.f32 v12, v8  }
0x46: {  	v18 =	vadd.f32 v13, v7;
	v13 =	vld [tilespmem:s5+$0xB0]  }
0x47: {  	v19 =	vadd.f32 v10, v6;
	v12 =	vmin.f32 v17, $2.000000000e+01  }
0x48: {  	v14 =	vadd.f32 v14, v11;
	v10 =	vmin.f32 v18, $2.000000000e+01;
	v12 =	vmul.f32 $1.442695020e+00, v12  }
0x49: {  	v15 =	vadd.f32 v15, v9;
	v20 =	vmin.f32 v19, $2.000000000e+01;
	v10 =	vmul.f32 $1.442695020e+00, v10  }
0x4a: {  	v21 =	vld [tilespmem:s5+$0x28E0];
	v22 =	vmin.f32 v14, $2.000000000e+01;
	v20 =	vmul.f32 $1.442695020e+00, v20;
	(erf) = vpow2.f32 v12  }
0x4b: {  	v22 =	vmul.f32 $1.442695020e+00, v22;
	v12 =	vld [tilespmem:s5+$0xE0];
	v16 =	vadd.f32 v16, v13;
	(erf) = vpow2.f32 v10  }
0x4c: {  	v23 =	vmin.f32 v15, $2.000000000e+01;
	v10 =	vld [tilespmem:s5+$0x110];
	(erf) = vpow2.f32 v20  }
0x4d: {  	v23 =	vmul.f32 $1.442695020e+00, v23;
	v20 =	vld [tilespmem:s5+$0x2910];
	v24 =	vmin.f32 v16, $2.000000000e+01;
	(erf) = vpow2.f32 v22  }
0x4e: {  	v22 =	vmul.f32 $1.442695020e+00, v24  }
0x4f: {  	(erf) = vpow2.f32 v23  }
0x50: {  	v21 =	vadd.f32 v21, v12;
	(erf) = vpow2.f32 v22;
	_ =	sdelay $0x1  }
0x51: {  	v22 =	vmin.f32 v21, $2.000000000e+01;
	v20 =	vadd.f32 v20, v10  }
0x52: {  	v22 =	vmul.f32 $1.442695020e+00, v22;
	v23 =	vpop (erf)  }
0x53: {  	v24 =	vmin.f32 v20, $2.000000000e+01;
	v25 =	vadd.f32 $2.000000000e+00, v23;
	v26 =	vpop (erf)  }
0x54: {  	(erf) = vpow2.f32 v22;
	v22 =	vmul.f32 $1.442695020e+00, v24;
	v24 =	vadd.f32 $2.000000000e+00, v26;
	v27 =	vpop (erf)  }
0x55: {  	v23 =	vmul.f32 v25, v23;
	v25 =	vadd.f32 $2.000000000e+00, v27;
	v28 =	vpop (erf)  }
0x56: {  	(erf) = vpow2.f32 v22;
	v22 =	vadd.f32 $2.000000000e+00, v28;
	v24 =	vmul.f32 v24, v26  }
0x57: {  	v26 =	vadd.f32 $2.000000000e+00, v23;
	v25 =	vmul.f32 v25, v27;
	v27 =	vpop (erf)  }
0x58: {  	v22 =	vmul.f32 v22, v28;
	v29 =	vadd.f32 $2.000000000e+00, v24;
	v30 =	vpop (erf)  }
0x59: {  	v53 =	vadd.f32 $2.000000000e+00, v27;
	v31 =	vadd.f32 $2.000000000e+00, v30;
	(erf) = vrcp.f32 v26  }
0x5a: {  	v32 =	vadd.f32 $2.000000000e+00, v25;
	v26 =	vadd.f32 $2.000000000e+00, v22;
	(erf) = vrcp.f32 v29  }
0x5b: {  	v27 =	vmul.f32 v53, v27  }
0x5c: {  	v54 =	vmul.f32 v31, v30;
	(erf) = vrcp.f32 v32  }
0x5d: {  	v55 =	vadd.f32 $2.000000000e+00, v27;
	(erf) = vrcp.f32 v26  }
0x5e: {  	v30 =	vadd.f32 $2.000000000e+00, v54;
	v26 =	vpop (erf)  }
0x5f: {  	(erf) = vrcp.f32 v55;
	v56 =	vadd.f32 $2.000000000e+00, v26  }
0x60: {  	v57 =	vpop (erf);
	(erf) = vrcp.f32 v30  }
0x61: {  	v58 =	vadd.f32 $2.000000000e+00, v57;
	v26 =	vmul.f32 v56, v26  }
0x62: {  	v59 =	vpop (erf)  }
0x63: {  	v29 =	vmul.f32 v58, v57;
	v31 =	vadd.f32 $2.000000000e+00, v26;
	v60 =	vpop (erf)  }
0x64: {  	v23 =	vmul.f32 v59, v23;
	v24 =	vmul.f32 v60, v24  }
0x65: {  	v61 =	vadd.f32 $2.000000000e+00, v29;
	v62 =	vpop (erf);
	(erf) = vrcp.f32 v31  }
0x66: {  	v17 =	vmul.f32 v23, v17;
	v23 =	vmul.f32 v62, v25;
	v25 =	vpop (erf)  }
0x67: {  	v22 =	vmul.f32 v25, v22;
	(erf) = vrcp.f32 v61  }
0x68: {  	v18 =	vmul.f32 v24, v18;
	v17 =	vmul.f32 v17, v4;
	v24 =	vpop (erf)  }
0x69: {  	v14 =	vmul.f32 v22, v14;
	v22 =	vmul.f32 v24, v27;
	v24 =	vpop (erf)  }
0x6a: {  	v19 =	vmul.f32 v23, v19;
	v24 =	vmul.f32 v24, v54  }
0x6b: {  	v23 =	vperm.xlane v17, v0;
	v14 =	vmul.f32 v14, v4  }
0x6c: {  	v18 =	vmul.f32 v18, v4;
	v16 =	vmul.f32 v24, v16  }
0x6d: {  	v15 =	vmul.f32 v22, v15;
	v17 =	vadd.f32 v17, v23;
	v22 =	vperm.xlane v14, v0  }
0x6e: {  	v23 =	vperm.xlane v18, v0;
	v16 =	vmul.f32 v16, v4  }
0x6f: {  	v15 =	vmul.f32 v15, v4;
	v25 =	vperm.xlane v17, v1;
	v24 =	vpop (erf);
	v14 =	vadd.f32 v14, v22  }
0x70: {  	v22 =	vmul.f32 v24, v26;
	v26 =	vpop (erf);
	v24 =	vperm.xlane v16, v0  }
0x71: {  	v18 =	vadd.f32 v18, v23;
	v27 =	vperm.xlane v14, v1;
	v23 =	vmul.f32 v26, v29  }
0x72: {  	v26 =	vmul.f32 v19, v4;
	v21 =	vmul.f32 v22, v21;
	v16 =	vadd.f32 v16, v24  }
0x73: {  	v24 =	vperm.xlane v15, v0;
	v14 =	vadd.f32 v14, v27;
	v20 =	vmul.f32 v23, v20  }
0x74: {  	v22 =	vperm.xlane v18, v1;
	v23 =	vperm.xlane v16, v1  }
0x75: {  	v15 =	vadd.f32 v15, v24;
	v19 =	vperm.xlane v14, v2;
	v20 =	vmul.f32 v20, v4  }
0x76: {  	v21 =	vmul.f32 v21, v4;
	v18 =	vadd.f32 v18, v22;
	v23 =	vadd.f32 v16, v23  }
0x77: {  	v19 =	vadd.f32 v14, v19;
	v16 =	vperm.xlane v15, v1;
	v22 =	vperm.xlane v20, v0  }
0x78: {  	v24 =	vperm.xlane v18, v2;
	v14 =	vadd.f32 v17, v25;
	v17 =	vperm.xlane v23, v2  }
0x79: {  	v25 =	vperm.xlane v19, v3;
	v16 =	vadd.f32 v15, v16;
	v15 =	vadd.f32 v20, v22  }
0x7a: {  	v22 =	vadd.f32 v23, v17;
	v17 =	vperm.xlane v21, v0;
	v23 =	vperm.xlane v26, v0  }
0x7b: {  	v25 =	vadd.f32 v19, v25;
	v20 =	vperm.xlane v16, v2;
	v27 =	vperm.xlane v15, v1  }
0x7c: {  	v63 =	vperm.xlane v22, v3;
	v19 =	vadd.f32 v21, v17;
	v17 =	vadd.f32 v18, v24  }
0x7d: {  	v18 =	vadd.f32 v25, v5;
	v21 =	vperm.xlane v14, v2;
	v15 =	vadd.f32 v15, v27  }
0x7e: {  	s20 =	simm.s32 $0x50A0;
	s9 =	simm.s32 $0x50A0;
	s10 =	simm.s32 $0x200;
	v23 =	vadd.f32 v26, v23;
	v24 =	vadd.f32 v22, v63;
	v22 =	vperm.xlane v17, v3  }
.LBB2_3:
0x7f: {  	p0 =	sne.s32 s10, $0x9E00  }
0x80: {  	v16 =	vadd.f32 v16, v20;
	v20 =	vperm.xlane v19, v1;
	s9 =	sadd.s32 $0x10, s9;
	s11 =	smov.u32 s10;
	s10 =	sadd.s32 $0x200, s10  }
0x81: {  	v14 =	vadd.f32 v14, v21;
	v24 =	vadd.f32 v24, v5;
	v21 =	vperm.xlane v23, v1  }
0x82: {  	v18 =	vmul.f32 $1.442695020e+00, v18;
	v17 =	vadd.f32 v17, v22;
	v19 =	vadd.f32 v19, v20  }
0x83: {  	v22 =	vperm.xlane v16, v3;
	v20 =	vmul.f32 $1.442695020e+00, v24;
	v21 =	vadd.f32 v23, v21  }
0x84: {  	v17 =	vadd.f32 v17, v5;
	v23 =	vperm.xlane v19, v2;
	(erf) = vpow2.f32 v18  }
0x85: {  	v16 =	vadd.f32 v16, v22;
	v18 =	vperm.xlane v21, v2;
	(erf) = vpow2.f32 v20  }
0x86: {  	v20 =	vperm.xlane v14, v3;
	v17 =	vmul.f32 $1.442695020e+00, v17;
	v19 =	vadd.f32 v19, v23  }
0x87: {  	v16 =	vadd.f32 v16, v5;
	v18 =	vadd.f32 v21, v18;
	v21 =	vperm.xlane v15, v2  }
0x88: {  	v14 =	vadd.f32 v14, v20;
	v20 =	vperm.xlane v19, v3  }
0x89: {  	v16 =	vmul.f32 $1.442695020e+00, v16;
	v22 =	vperm.xlane v18, v3;
	v15 =	vadd.f32 v15, v21  }
0x8a: {  	v14 =	vadd.f32 v14, v5;
	v21 =	vadd.f32 v19, v20  }
0x8b: {  	v18 =	vadd.f32 v18, v22;
	v20 =	vperm.xlane v15, v3;
	(erf) = vpow2.f32 v16  }
0x8c: {  	v14 =	vmul.f32 $1.442695020e+00, v14;
	v16 =	vadd.f32 v21, v5  }
0x8d: {  	v18 =	vadd.f32 v18, v5;
	v15 =	vadd.f32 v15, v20;
	v19 =	vpop (erf)  }
0x8e: {  	v20 =	vnsel vm0, $0x0, v19;
	v16 =	vmul.f32 $1.442695020e+00, v16;
	v21 =	vpop (erf);
	(erf) = vpow2.f32 v14  }
0x8f: {  	v14 =	vsel vm1, v20, v21;
	v18 =	vmul.f32 $1.442695020e+00, v18;
	v15 =	vadd.f32 v15, v5  }
0x90: {  	v13 =	vmul.f32 v21, v13;
	(erf) = vpow2.f32 v16  }
0x91: {  	v15 =	vmul.f32 $1.442695020e+00, v15;
	(erf) = vpow2.f32 v17  }
0x92: {  	v16 =	vmul.f32 v19, v11;
	[tilespmem:s5+$0xB0] =	vst v13;
	(erf) = vpow2.f32 v18  }
0x93: {  	(erf) = vpow2.f32 v15  }
0x94: {  	[tilespmem:s5+$0xA0] =	vst v16;
	v11 =	vpop (erf)  }
0x95: {  	s11 =	sshra.s32 s11, $0x2;
	v13 =	vmul.f32 v11, v9;
	v11 =	vsel vm2, v14, v11;
	_ =	sdelay $0x1  }
0x96: {  	[tilespmem:s5+$0xC0] =	vst v13;
	v9 =	vpop (erf)  }
0x97: {  	v8 =	vmul.f32 v9, v8  }
0x98: {  	v9 =	vsel vm3, v11, v9;
	v11 =	vpop (erf)  }
0x99: {  	[tilespmem:s5+$0xD0] =	vst v8;
	v8 =	vmul.f32 v11, v12;
	v13 =	vsel vm4, v9, v11;
	v11 =	vpop (erf)  }
0x9a: {  	v7 =	vmul.f32 v11, v7;
	v12 =	vsel vm5, v13, v11;
	v11 =	vpop (erf)  }
0x9b: {  	[tilespmem:s5+$0xE0] =	vst v8;
	v6 =	vmul.f32 v11, v6;
	v8 =	vsel vm6, v12, v11;
	v9 =	vpop (erf)  }
0x9c: {  	[tilespmem:s5+$0xF0] =	vst v7;
	v7 =	vmul.f32 v9, v10;
	v8 =	vsel vm7, v8, v9  }
0x9d: {  	[tilespmem:s5+$0x100] =	vst v6  }
0x9e: {  	[tilespmem:s5+$0x110] =	vst v7;
	s5 =	smov.u32 s11  }
0x9f: {  	[tilespmem:s20+$0x0] =	vst v8;
	s20 =	smov.u32 s9  }
0xa0: {  	v6 =	vld [tilespmem:s5+$0x100]  }
0xa1: {  	v10 =	vld [tilespmem:s5+$0x2900]  }
0xa2: {  	v8 =	vld [tilespmem:s5+$0xD0]  }
0xa3: {  	v7 =	vld [tilespmem:s5+$0xF0]  }
0xa4: {  	v9 =	vld [tilespmem:s5+$0xC0]  }
0xa5: {  	v12 =	vld [tilespmem:s5+$0x28F0]  }
0xa6: {  	v14 =	vld [tilespmem:s5+$0x28D0]  }
0xa7: {  	v11 =	vld [tilespmem:s5+$0xA0]  }
0xa8: {  	v15 =	vld [tilespmem:s5+$0x28C0]  }
0xa9: {  	v16 =	vld [tilespmem:s5+$0x28A0]  }
0xaa: {  	v17 =	vld [tilespmem:s5+$0x28B0];
	v18 =	vadd.f32 v12, v7  }
0xab: {  	v13 =	vld [tilespmem:s5+$0xB0];
	v19 =	vadd.f32 v14, v8  }
0xac: {  	v20 =	vmin.f32 v18, $2.000000000e+01  }
0xad: {  	v21 =	vadd.f32 v10, v6;
	v14 =	vadd.f32 v15, v9;
	v12 =	vmin.f32 v19, $2.000000000e+01;
	v15 =	vld [tilespmem:s5+$0x28E0]  }
0xae: {  	v20 =	vmul.f32 $1.442695020e+00, v20;
	v16 =	vadd.f32 v16, v11;
	v22 =	vmul.f32 $1.442695020e+00, v12;
	v12 =	vld [tilespmem:s5+$0xE0]  }
0xaf: {  	v24 =	vmin.f32 v21, $2.000000000e+01;
	v23 =	vmin.f32 v14, $2.000000000e+01;
	v10 =	vld [tilespmem:s5+$0x110]  }
0xb0: {  	v24 =	vmul.f32 $1.442695020e+00, v24;
	v25 =	vmin.f32 v16, $2.000000000e+01;
	v26 =	vld [tilespmem:s5+$0x2910];
	(erf) = vpow2.f32 v22  }
0xb1: {  	v17 =	vadd.f32 v17, v13;
	v22 =	vmul.f32 $1.442695020e+00, v25;
	(erf) = vpow2.f32 v20  }
0xb2: {  	v20 =	vmul.f32 $1.442695020e+00, v23;
	(erf) = vpow2.f32 v24  }
0xb3: {  	v23 =	vmin.f32 v17, $2.000000000e+01;
	v15 =	vadd.f32 v15, v12;
	(erf) = vpow2.f32 v22  }
0xb4: {  	v22 =	vmul.f32 $1.442695020e+00, v23  }
0xb5: {  	v23 =	vmin.f32 v15, $2.000000000e+01;
	v24 =	vadd.f32 v26, v10;
	(erf) = vpow2.f32 v20  }
0xb6: {  	v20 =	vmul.f32 $1.442695020e+00, v23;
	(erf) = vpow2.f32 v22;
	_ =	sdelay $0x1  }
0xb7: {  	v23 =	vmin.f32 v24, $2.000000000e+01;
	(erf) = vpow2.f32 v20  }
0xb8: {  	v20 =	vmul.f32 $1.442695020e+00, v23;
	v22 =	vpop (erf)  }
0xb9: {  	v28 =	vadd.f32 $2.000000000e+00, v22;
	v25 =	vpop (erf)  }
0xba: {  	v26 =	vadd.f32 $2.000000000e+00, v25;
	v27 =	vpop (erf);
	(erf) = vpow2.f32 v20  }
0xbb: {  	v20 =	vmul.f32 v28, v22;
	v22 =	vadd.f32 $2.000000000e+00, v27;
	v23 =	vpop (erf)  }
0xbc: {  	v28 =	vadd.f32 $2.000000000e+00, v23;
	v25 =	vmul.f32 v26, v25  }
0xbd: {  	v26 =	vadd.f32 $2.000000000e+00, v20;
	v22 =	vmul.f32 v22, v27;
	v27 =	vpop (erf)  }
0xbe: {  	v23 =	vmul.f32 v28, v23;
	v33 =	vadd.f32 $2.000000000e+00, v27;
	v29 =	vadd.f32 $2.000000000e+00, v25;
	v30 =	vpop (erf)  }
0xbf: {  	v31 =	vadd.f32 $2.000000000e+00, v30;
	v32 =	vadd.f32 $2.000000000e+00, v22;
	(erf) = vrcp.f32 v26  }
0xc0: {  	v26 =	vadd.f32 $2.000000000e+00, v23;
	v27 =	vmul.f32 v33, v27;
	v28 =	vpop (erf);
	(erf) = vrcp.f32 v29  }
0xc1: {  	v29 =	vmul.f32 v31, v30;
	v33 =	vadd.f32 $2.000000000e+00, v28;
	(erf) = vrcp.f32 v32  }
0xc2: {  	v31 =	vadd.f32 $2.000000000e+00, v27;
	(erf) = vrcp.f32 v26  }
0xc3: {  	v26 =	vadd.f32 $2.000000000e+00, v29;
	v28 =	vmul.f32 v33, v28;
	v30 =	vpop (erf)  }
0xc4: {  	(erf) = vrcp.f32 v31  }
0xc5: {  	v31 =	vadd.f32 $2.000000000e+00, v28;
	(erf) = vrcp.f32 v26  }
0xc6: {  	v26 =	vadd.f32 $2.000000000e+00, v30  }
0xc7: {  	(erf) = vrcp.f32 v31  }
0xc8: {  	v26 =	vmul.f32 v26, v30;
	v30 =	vpop (erf)  }
0xc9: {  	v20 =	vmul.f32 v30, v20;
	v30 =	vpop (erf)  }
0xca: {  	v25 =	vmul.f32 v30, v25;
	v30 =	vadd.f32 $2.000000000e+00, v26;
	v31 =	vpop (erf)  }
0xcb: {  	v19 =	vmul.f32 v20, v19;
	v20 =	vmul.f32 v31, v22;
	v22 =	vpop (erf)  }
0xcc: {  	v22 =	vmul.f32 v22, v23;
	(erf) = vrcp.f32 v30  }
0xcd: {  	v18 =	vmul.f32 v25, v18;
	v19 =	vmul.f32 v19, v4;
	v23 =	vpop (erf)  }
0xce: {  	v16 =	vmul.f32 v22, v16;
	v22 =	vmul.f32 v23, v27;
	v23 =	vpop (erf)  }
0xcf: {  	v20 =	vmul.f32 v20, v21;
	v23 =	vmul.f32 v23, v29  }
0xd0: {  	v21 =	vperm.xlane v19, v0;
	v16 =	vmul.f32 v16, v4;
	v25 =	vpop (erf)  }
0xd1: {  	v14 =	vmul.f32 v22, v14;
	v17 =	vmul.f32 v23, v17  }
0xd2: {  	v18 =	vmul.f32 v18, v4;
	v19 =	vadd.f32 v19, v21;
	v22 =	vperm.xlane v16, v0  }
0xd3: {  	v14 =	vmul.f32 v14, v4;
	v17 =	vmul.f32 v17, v4  }
0xd4: {  	v21 =	vmul.f32 v25, v28;
	v16 =	vadd.f32 v16, v22;
	v22 =	vperm.xlane v18, v0  }
0xd5: {  	v25 =	vperm.xlane v19, v1;
	v23 =	vperm.xlane v17, v0;
	v27 =	vpop (erf)  }
0xd6: {  	v28 =	vperm.xlane v16, v1;
	v18 =	vadd.f32 v18, v22;
	v22 =	vmul.f32 v27, v26  }
0xd7: {  	v15 =	vmul.f32 v21, v15;
	v17 =	vadd.f32 v17, v23;
	v23 =	vperm.xlane v14, v0  }
0xd8: {  	v16 =	vadd.f32 v16, v28;
	v21 =	vperm.xlane v18, v1;
	v22 =	vmul.f32 v22, v24  }
0xd9: {  	v26 =	vmul.f32 v20, v4;
	v24 =	vperm.xlane v17, v1;
	v23 =	vadd.f32 v14, v23  }
0xda: {  	v14 =	vadd.f32 v19, v25;
	v20 =	vperm.xlane v16, v2;
	v19 =	vmul.f32 v22, v4  }
0xdb: {  	v15 =	vmul.f32 v15, v4;
	v18 =	vadd.f32 v18, v21;
	v17 =	vadd.f32 v17, v24  }
0xdc: {  	v20 =	vadd.f32 v16, v20;
	v16 =	vperm.xlane v23, v1;
	v21 =	vperm.xlane v19, v0  }
0xdd: {  	v24 =	vperm.xlane v18, v2;
	v22 =	vperm.xlane v17, v2  }
0xde: {  	v25 =	vperm.xlane v20, v3;
	v16 =	vadd.f32 v23, v16;
	v23 =	vadd.f32 v19, v21  }
.Ltmp0:
0xdf: {  	v27 =	vperm.xlane v26, v0;
	v22 =	vadd.f32 v17, v22;
	v17 =	vperm.xlane v15, v0;
	(pc) =	sbr.rel @p0 .LBB2_3-.Ltmp0, $4  }
0xe0: {  	v21 =	vadd.f32 v20, v25;
	v20 =	vperm.xlane v16, v2;
	v25 =	vperm.xlane v23, v1  }
0xe1: {  	v28 =	vperm.xlane v22, v3;
	v19 =	vadd.f32 v15, v17;
	v17 =	vadd.f32 v18, v24  }
0xe2: {  	v18 =	vadd.f32 v21, v5;
	v21 =	vperm.xlane v14, v2;
	v15 =	vadd.f32 v23, v25  }
0xe3: {  	v23 =	vadd.f32 v26, v27;
	v24 =	vadd.f32 v22, v28;
	v22 =	vperm.xlane v17, v3  }
0xe4: {  	v25 =	vperm.xlane v19, v1;
	_ =	sdelay $0x1  }
0xe5: {  	v41 =	vperm.xlane v23, v1;
	v19 =	vadd.f32 v19, v25  }
0xe6: {  	v16 =	vadd.f32 v16, v20  }
0xe7: {  	v14 =	vadd.f32 v14, v21;
	v23 =	vadd.f32 v23, v41;
	v43 =	vperm.xlane v19, v2  }
0xe8: {  	v18 =	vmul.f32 $1.442695020e+00, v18;
	v47 =	vperm.xlane v15, v2;
	v42 =	vadd.f32 v24, v5  }
0xe9: {  	v44 =	vperm.xlane v16, v3;
	v45 =	vperm.xlane v23, v2;
	v19 =	vadd.f32 v19, v43  }
0xea: {  	v17 =	vadd.f32 v17, v22;
	v46 =	vperm.xlane v14, v3;
	(erf) = vpow2.f32 v18  }
0xeb: {  	v16 =	vadd.f32 v16, v44;
	v22 =	vadd.f32 v23, v45;
	v48 =	vperm.xlane v19, v3  }
0xec: {  	v15 =	vadd.f32 v15, v47;
	v20 =	vmul.f32 $1.442695020e+00, v42;
	v14 =	vadd.f32 v14, v46  }
0xed: {  	v16 =	vadd.f32 v16, v5;
	v49 =	vperm.xlane v22, v3;
	v19 =	vadd.f32 v19, v48  }
0xee: {  	v17 =	vadd.f32 v17, v5;
	v50 =	vperm.xlane v15, v3;
	v14 =	vadd.f32 v14, v5  }
0xef: {  	v16 =	vmul.f32 $1.442695020e+00, v16;
	v18 =	vadd.f32 v22, v49;
	v19 =	vadd.f32 v19, v5  }
0xf0: {  	(erf) = vpow2.f32 v20;
	v15 =	vadd.f32 v15, v50;
	v14 =	vmul.f32 $1.442695020e+00, v14  }
0xf1: {  	(erf) = vpow2.f32 v16;
	v51 =	vadd.f32 v18, v5;
	v52 =	vmul.f32 $1.442695020e+00, v19  }
0xf2: {  	v17 =	vmul.f32 $1.442695020e+00, v17;
	v53 =	vadd.f32 v15, v5;
	(erf) = vpow2.f32 v14  }
0xf3: {  	v54 =	vmul.f32 $1.442695020e+00, v51;
	(erf) = vpow2.f32 v52  }
0xf4: {  	v14 =	vmul.f32 $1.442695020e+00, v53;
	(erf) = vpow2.f32 v17  }
0xf5: {  	(erf) = vpow2.f32 v54  }
0xf6: {  	(erf) = vpow2.f32 v14;
	_ =	sdelay $0x1  }
0xf7: {  	v55 =	vpop (erf)  }
0xf8: {  	v11 =	vmul.f32 v55, v11;
	v56 =	vpop (erf)  }
0xf9: {  	v13 =	vmul.f32 v56, v13;
	v57 =	vpop (erf)  }
0xfa: {  	[tilespmem:s5+$0xA0] =	vst v11;
	v14 =	vnsel vm0, $0x0, v55;
	v9 =	vmul.f32 v57, v9;
	v58 =	vpop (erf)  }
0xfb: {  	[tilespmem:s5+$0xB0] =	vst v13;
	v14 =	vsel vm1, v14, v56;
	v8 =	vmul.f32 v58, v8;
	v59 =	vpop (erf)  }
0xfc: {  	v14 =	vsel vm2, v14, v57;
	[tilespmem:s5+$0xC0] =	vst v9;
	v60 =	vmul.f32 v59, v12;
	v61 =	vpop (erf)  }
0xfd: {  	v13 =	vsel vm3, v14, v58;
	[tilespmem:s5+$0xD0] =	vst v8;
	v7 =	vmul.f32 v61, v7;
	v62 =	vpop (erf)  }
0xfe: {  	v11 =	vsel vm4, v13, v59;
	[tilespmem:s5+$0xE0] =	vst v60;
	v6 =	vmul.f32 v62, v6;
	v63 =	vpop (erf)  }
0xff: {  	v11 =	vsel vm5, v11, v61;
	[tilespmem:s5+$0xF0] =	vst v7;
	v7 =	vmul.f32 v63, v10  }
0x100: {  	v8 =	vsel vm6, v11, v62;
	[tilespmem:s5+$0x100] =	vst v6  }
0x101: {  	v6 =	vsel vm7, v8, v63;
	[tilespmem:s5+$0x110] =	vst v7  }
0x102: {  	[tilespmem:s20+$0x0] =	vst v6  }
0x103: {  	[spmem:s2] =	stream.indirect.scatter.add.f32 [tilespmem:s23], [sflag:$0x5], $0x80, s21, s21, $0xb8;
	[tilespmem:$0x1BDC0] =	vst v63  }
0x104: {  	s3 =	sadd.s32 $0x1, s3  }
0x105: {  	[spmem:s4] =	stream.indirect.scatter.add.f32 [tilespmem:s29], [sflag:$0x6], $0x10, s21, s21, $0xb8;
	[tilespmem:$0x1BDC0] =	vst v63  }
0x106: {  	p0 =	sne.s32 s3, $0x7D;
	_ =	swait.ge [sflag:s30], $0x2800  }
.Ltmp1:
0x107: {  	[sflag:s30] =	ssyncset.done $0x0;
	(pc) =	sbr.rel @p0 .LBB2_2-.Ltmp1, $4  }
0x108: {  	[sflag:s30] =	ssyncadd.s32 $0xFFFFD800  }
0x109: {  	_ =	swait.ge [sflag:s31], $0x500  }
0x10a: {  	[sflag:s31] =	ssyncset.done $0x0  }
0x10b: {  	[sflag:s31] =	ssyncadd.s32 $0xFFFFFB00  }
0x10c: {  	[bflag:$0x0] =	sbarrier.arrive $0xFFFF  }
0x10d: {  	[hbm:s14], [sflag:s12] =	dma.local [spmem:s17], $0x2800  }
0x10e: {  	s0 =	sadd.s32 $0x1, s0;
	_ =	swait.ge [sflag:s18], $0x2800  }
0x10f: {  	p0 =	sne.s32 s0, s16;
	[sflag:s18] =	ssyncset.done $0x0  }
.Ltmp2:
0x110: {  	[sflag:s18] =	ssyncadd.s32 $0xFFFFD800;
	(pc) =	sbr.rel @p0 .LBB2_1-.Ltmp2, $4  }
0x111: {  	[hbm:s15], [sflag:s12] =	dma.local [spmem:s19], $0x500  }
0x112: {  	_ =	swait.ge [sflag:s18], $0x500  }
0x113: {  	[sflag:s18] =	ssyncset.done $0x0  }
0x114: {  	[sflag:s18] =	ssyncadd.s32 $0xFFFFFB00  }
0x115: {  	_ =	sfence.sel $0x180000  }
0x116: {  	[bflag:$0x0] =	sbarrier.arrive $0xFFFF  }
0x117: {  	_ =	strace $0x90000047  }
0x118: {  	s0 =	stileid.u32;
	[bflag:$0x2] =	sbarrier.arrive $0xFFFF  }
0x119: {  	p0 =	sne.s32 s0, $0x0;
	s0 =	rddreg [dreg:$0x4]  }
0x11a: {  	s0 =	sadd.s32 @!p0 $0x100000, s0  }
0x11b: {  	[sflag:s0] =	ssyncadd.tile.s32 @!p0 $0x1;
	_ =	shalt  }
.Lfunc_end2:
_tile_overlayer_lowered:
.L_overlay_start_2:
0x11c: {  	(tag) =	ssettag $0x2  }
0x11d: {  	s0 =	rddreg [dreg:$0x0];
	s2 =	stileid.u32  }
0x11e: {  	s1 =	rddreg [dreg:$0x1];
	p0 =	sne.s32 s2, $0x0  }
0x11f: {  	s3 =	rddreg [dreg:$0x2];
	[bflag:$0x3] =	sbarrier.arrive $0xFFFF;
	s2 =	simm.s32 @!p0 $0x1C07  }
0x120: {  	[timem:s3], [sflag:s2] =	dma.local @!p0 [hbm:s0], s1  }
0x121: {  	s0 =	simm.s32 @!p0 $0x7  }
0x122: {  	_ =	swait.ge @!p0 [sflag:s0], s1  }
0x123: {  	s1 =	ssub.s32 @!p0 $0x0, s1;
	[sflag:s0] =	ssyncset.done @!p0 $0x0  }
0x124: {  	[sflag:s0] =	ssyncadd.s32 @!p0 s1  }
0x125: {  	[bflag:$0x3] =	sbarrier.arrive $0xFFFF  }
0x126: {  	_ =	shalt  }

</sc_bundles>
